<compile_context>
chip_gen: v7x
topology: tpu7x:2x2x1
jax: 0.10.2.dev20260603
libtpu: 0.0.44.dev20260713+nightly
codegen_flags: <defaults>
</compile_context>

<pallas_src>
import functools

import jax
import jax.numpy as jnp
from jax import lax
from jax.experimental import pallas as pl
from jax.experimental.pallas import tpu as pltpu
from jax.experimental.pallas import tpu_sc as plsc

_K = 8192
_D = 256
_M = 4608
_MG = _M
_BK = 4096
_NSTEPS = _K // _BK
_LANES = 128
_BIG = 2 ** 30

_NC = 2
_NS = 16
_NW = _NC * _NS
_ROWS_PER_W = _MG // _NW
_NCHUNK = 2
_IDX_CHUNK = _ROWS_PER_W // _NCHUNK


def _argmin_body(x_ref, ct_ref, tok_ref, minv_ref, mini_ref, xm2_ref,
                 x2_ref):
    k = pl.program_id(0)

    @pl.when(k == 0)
    def _init():
        minv_ref[...] = jnp.full(minv_ref.shape, jnp.inf, jnp.float32)
        mini_ref[...] = jnp.zeros(mini_ref.shape, jnp.float32)
        xm2_ref[...] = x_ref[...] * (-2.0)
        x2_ref[...] = jnp.sum(jnp.square(x_ref[...]), axis=1, keepdims=True)

    m = x_ref.shape[0]
    lane = lax.broadcasted_iota(jnp.int32, (m, _LANES), 1).astype(jnp.float32)
    base = (k * _BK).astype(jnp.float32)
    x2v = x2_ref[...]
    _H = 256

    def _tree(vals, idxs):
        while len(vals) > 1:
            nv, ni = [], []
            for a in range(0, len(vals), 2):
                s = vals[a + 1] < vals[a]
                nv.append(jnp.minimum(vals[a], vals[a + 1]))
                ni.append(jnp.where(s, idxs[a + 1], idxs[a]))
            vals, idxs = nv, ni
        return vals[0], idxs[0]

    def _chunk(h):
        cc = ct_ref[h * _H:(h + 1) * _H, :]
        c2b = jnp.transpose(
            jnp.sum(jnp.square(cc), axis=1, keepdims=True))
        xc = lax.dot_general(
            xm2_ref[...], cc, (((1,), (1,)), ((), ())),
            preferred_element_type=jnp.float32)
        vals = [(x2v + xc[:, t * _LANES:(t + 1) * _LANES])
                + c2b[:, t * _LANES:(t + 1) * _LANES]
                for t in range(_H // _LANES)]
        idxs = [lane + (h * _H + t * _LANES) for t in range(_H // _LANES)]
        return _tree(vals, idxs)

    parts = [_chunk(h) for h in range(_BK // _H)]
    bv, bi = _tree([p[0] for p in parts], [p[1] for p in parts])
    cur_v = minv_ref[...]
    u = bv < cur_v
    minv_ref[...] = jnp.minimum(bv, cur_v)
    mini_ref[...] = jnp.where(u, bi + base, mini_ref[...])

    @pl.when(k == _NSTEPS - 1)
    def _finish():
        mv = minv_ref[...]
        mn = jnp.min(mv, axis=1, keepdims=True)
        cand = jnp.where(mv == mn, mini_ref[...], jnp.float32(_BIG))
        tok = jnp.min(cand, axis=1, keepdims=True)
        tok_ref[...] = tok.astype(jnp.int32)


def _tokens(x, cb):
    m = x.shape[0]
    return pl.pallas_call(
        _argmin_body,
        grid=(_NSTEPS,),
        in_specs=[
            pl.BlockSpec((m, _D), lambda k: (0, 0)),
            pl.BlockSpec((_BK, _D), lambda k: (k, 0)),
        ],
        out_specs=pl.BlockSpec((m, 1), lambda k: (0, 0)),
        out_shape=jax.ShapeDtypeStruct((m, 1), jnp.int32),
        scratch_shapes=[
            pltpu.VMEM((m, _LANES), jnp.float32),
            pltpu.VMEM((m, _LANES), jnp.float32),
            pltpu.VMEM((m, _D), jnp.float32),
            pltpu.VMEM((m, 1), jnp.float32),
        ],
    )(x, cb)


def _sc_gather_body(table_hbm, idx_hbm, out_hbm, idx_v, rows_v, gsem, osem):
    wid = lax.axis_index("s") * _NC + lax.axis_index("c")
    pltpu.sync_copy(idx_hbm.at[wid], idx_v)
    gathers = [
        pltpu.async_copy(
            table_hbm.at[idx_v.at[c]],
            rows_v.at[pl.ds(c * _IDX_CHUNK, _IDX_CHUNK)], gsem)
        for c in range(_NCHUNK)
    ]
    outs = []
    base = _ROWS_PER_W * wid
    for c in range(_NCHUNK):
        gathers[c].wait()
        outs.append(pltpu.async_copy(
            rows_v.at[pl.ds(c * _IDX_CHUNK, _IDX_CHUNK)],
            out_hbm.at[pl.ds(base + c * _IDX_CHUNK, _IDX_CHUNK)], osem))
    for cp in outs:
        cp.wait()


@functools.cache
def _sc_gather():
    return pl.kernel(
        _sc_gather_body,
        out_type=jax.ShapeDtypeStruct((_MG, _D), jnp.float32),
        mesh=plsc.VectorSubcoreMesh(core_axis_name="c", subcore_axis_name="s"),
        scratch_types=[
            pltpu.VMEM((_NCHUNK, _IDX_CHUNK), jnp.int32),
            pltpu.VMEM((_ROWS_PER_W, _D), jnp.float32),
            pltpu.SemaphoreType.DMA,
            pltpu.SemaphoreType.DMA,
        ],
    )


def kernel(inputs, codebook, training):
    shape = inputs.shape
    x = inputs.reshape(_M, _D)
    tok = _tokens(x, codebook)
    idx = tok.reshape(_NW, _NCHUNK, _IDX_CHUNK)
    emb = _sc_gather()(codebook, idx)
    del training
    return emb.reshape(shape)

# --- scband reference (transcript-rebuilt; emitter-appended) ---
"""Pipeline reference for scband-vector-quantizer-67894843015608 (READ-ONLY COPY).

The authoritative reference and input builder live on the scoring server;
editing this copy changes nothing except your own understanding.
"""

import jax, jax.numpy as jnp
import numpy as np

CODEBOOK_SIZE = 8192
EMBEDDING_DIM = 256
COMMITMENT_LOSS_WEIGHT = 0.25
ENTROPY_LOSS_WEIGHT = 0.1
ENTROPY_LOSS_TEMPERATURE = 1.0


def setup_inputs(seed: int = 0) -> dict:
    key = jax.random.key(seed)
    k1, k2 = jax.random.split(key)
    inputs = jax.random.normal(k1, (8, 24, 24, 256), dtype=jnp.float32)
    # codebook param, per tf.keras.initializers.RandomUniform(-5, 5)
    codebook = jax.random.uniform(k2, (CODEBOOK_SIZE, EMBEDDING_DIM), dtype=jnp.float32, minval=-5.0, maxval=5.0)
    return {"inputs": inputs, "codebook": codebook, "training": 1}


def _distances(inputs, codebook):
    # ||x - c||^2 computed as ||x||^2 - 2 x.c + ||c||^2 (same math as the
    # broadcast form tf.reduce_sum(tf.square(x[..., None, :] - codebook), -1)
    # without materializing the [B, H, W, K, D] intermediate)
    x2 = jnp.sum(jnp.square(inputs), axis=-1, keepdims=True)          # [B,H,W,1]
    c2 = jnp.sum(jnp.square(codebook), axis=-1)                        # [K]
    xc = jnp.einsum('bhwd,kd->bhwk', inputs, codebook)                 # [B,H,W,K]
    return x2 - 2.0 * xc + c2


def _entropy_loss(distances):
    K = distances.shape[-1]
    affinity = (-distances).reshape(-1, K) / ENTROPY_LOSS_TEMPERATURE
    probs = jax.nn.softmax(affinity, axis=-1)
    log_probs = jax.nn.log_softmax(affinity + 1e-05, axis=-1)
    avg_probs = jnp.mean(probs, axis=0)
    avg_entropy = -jnp.sum(avg_probs * jnp.log(avg_probs + 1e-05))
    sample_entropy = -jnp.mean(jnp.sum(probs * log_probs, axis=-1))
    return sample_entropy - avg_entropy


def reference(inputs, codebook, training):
    distances = _distances(inputs, codebook)                           # [B,H,W,K]
    tokens = jnp.argmin(distances, axis=-1)                            # [B,H,W]
    embeddings = jnp.take(codebook, tokens, axis=0)                    # [B,H,W,D]
    # losses (keras add_loss side-effects; computed for faithfulness)
    ent_loss = ENTROPY_LOSS_WEIGHT * _entropy_loss(distances)
    commit_loss = COMMITMENT_LOSS_WEIGHT * jnp.mean(jnp.square(jax.lax.stop_gradient(inputs) - embeddings))
    recon_loss = jnp.mean(jnp.square(jax.lax.stop_gradient(embeddings) - inputs))
    _ = (ent_loss, commit_loss, recon_loss)
    ste_embeddings = inputs + jax.lax.stop_gradient(embeddings - inputs)
    embeddings = jnp.where(jnp.asarray(training) != 0, ste_embeddings, embeddings)
    return embeddings

if __name__ == "__main__":
    import jax
    _d = setup_inputs()
    print(jax.jit(kernel)(*tuple(_d.values())))

</pallas_src>

<mosaic_0001>
#map = affine_map<(d0, d1) -> (0, 0)>
#map1 = affine_map<(d0, d1) -> (0, 0, 0)>
module attributes {stable_mosaic.version = 14 : i64} {
  func.func @_sc_gather_body(%arg0: i32, %arg1: i32, %arg2: memref<8192x256xf32, #tpu.memory_space<hbm>>, %arg3: memref<32x2x72xi32, #tpu.memory_space<hbm>>, %arg4: memref<4608x256xf32, #tpu.memory_space<hbm>>, %arg5: memref<2x72xi32, #tpu.memory_space<vmem>>, %arg6: memref<144x256xf32, #tpu.memory_space<vmem>>, %arg7: memref<!tpu.dma_semaphore, #tpu.memory_space<semaphore_mem>>, %arg8: memref<!tpu.dma_semaphore, #tpu.memory_space<semaphore_mem>>) attributes {dimension_semantics = [#tpu.dimension_semantics<core_parallel>, #tpu.dimension_semantics<subcore_parallel>], iteration_bounds = array<i64: 2, 16>, scalar_prefetch = 0 : i64, scratch_operands = 4 : i64, tpu.core_type = #tpu.core_type<sc_vector_subcore>, window_params = [{transform_indices = #map}, {transform_indices = #map1}, {transform_indices = #map}]} {
    %mul3A = arith.constant 2 : i32
    %mul3A_0 = arith.muli %arg1, %mul3A : i32
    %add3A = arith.addi %mul3A_0, %arg0 : i32
    "tpu.region"() ({
      %run_scoped3A = tpu.sem_alloc : memref<!tpu.dma_semaphore, #tpu.memory_space<semaphore_mem>>
      %dma_start3A_85 = arith.constant 0 : i32
      %dma_start3A_86 = arith.constant 0 : i32
      %dma_start3A_87 = tpu.memref_slice %arg3[%add3A, %dma_start3A_85, %dma_start3A_86] : memref<32x2x72xi32, #tpu.memory_space<hbm>> -> memref<1x2x72xi32, #tpu.memory_space<hbm>>
      %dma_start3A_88 = tpu.memref_squeeze %dma_start3A_87 : memref<1x2x72xi32, #tpu.memory_space<hbm>> -> memref<2x72xi32, #tpu.memory_space<hbm>>
      %dma_start3A_89 = arith.constant 0 : i32
      %dma_start3A_90 = arith.constant 0 : i32
      %dma_start3A_91 = tpu.memref_slice %arg3[%add3A, %dma_start3A_89, %dma_start3A_90] : memref<32x2x72xi32, #tpu.memory_space<hbm>> -> memref<1x2x72xi32, #tpu.memory_space<hbm>>
      %dma_start3A_92 = tpu.memref_squeeze %dma_start3A_91 : memref<1x2x72xi32, #tpu.memory_space<hbm>> -> memref<2x72xi32, #tpu.memory_space<hbm>>
      tpu.enqueue_dma source(%dma_start3A_92 : memref<2x72xi32, #tpu.memory_space<hbm>>) target(%arg5 : memref<2x72xi32, #tpu.memory_space<vmem>>) target_semaphore(%run_scoped3A : memref<!tpu.dma_semaphore, #tpu.memory_space<semaphore_mem>>)
      %dma_wait3A_93 = arith.constant 0 : i32
      %dma_wait3A_94 = arith.constant 0 : i32
      %dma_wait3A_95 = tpu.memref_slice %arg3[%add3A, %dma_wait3A_93, %dma_wait3A_94] : memref<32x2x72xi32, #tpu.memory_space<hbm>> -> memref<1x2x72xi32, #tpu.memory_space<hbm>>
      %dma_wait3A_96 = tpu.memref_squeeze %dma_wait3A_95 : memref<1x2x72xi32, #tpu.memory_space<hbm>> -> memref<2x72xi32, #tpu.memory_space<hbm>>
      %dma_wait3A_97 = arith.constant 0 : i32
      %dma_wait3A_98 = arith.constant 0 : i32
      %dma_wait3A_99 = tpu.memref_slice %arg3[%add3A, %dma_wait3A_97, %dma_wait3A_98] : memref<32x2x72xi32, #tpu.memory_space<hbm>> -> memref<1x2x72xi32, #tpu.memory_space<hbm>>
      %dma_wait3A_100 = tpu.memref_squeeze %dma_wait3A_99 : memref<1x2x72xi32, #tpu.memory_space<hbm>> -> memref<2x72xi32, #tpu.memory_space<hbm>>
      tpu.wait_dma2 semaphore(%run_scoped3A : memref<!tpu.dma_semaphore, #tpu.memory_space<semaphore_mem>>) src(%dma_wait3A_100 : memref<2x72xi32, #tpu.memory_space<hbm>>) dst(%arg5 : memref<2x72xi32, #tpu.memory_space<vmem>>)
      tpu.yield
    }) : () -> ()
    %dma_start3A = arith.constant 0 : i32
    %dma_start3A_1 = arith.constant 0 : i32
    %dma_start3A_2 = arith.constant 0 : i32
    %dma_start3A_3 = tpu.memref_slice %arg6[%dma_start3A_1, %dma_start3A_2] : memref<144x256xf32, #tpu.memory_space<vmem>> -> memref<72x256xf32, #tpu.memory_space<vmem>>
    %dma_start3A_4 = arith.constant 0 : i32
    %dma_start3A_5 = tpu.memref_slice %arg5[%dma_start3A, %dma_start3A_4] : memref<2x72xi32, #tpu.memory_space<vmem>> -> memref<1x72xi32, #tpu.memory_space<vmem>>
    %dma_start3A_6 = tpu.memref_squeeze %dma_start3A_5 : memref<1x72xi32, #tpu.memory_space<vmem>> -> memref<72xi32, #tpu.memory_space<vmem>>
    %dma_start3A_7 = arith.constant 0 : i32
    %dma_start3A_8 = arith.constant 0 : i32
    %dma_start3A_9 = tpu.memref_slice %arg2[%dma_start3A_7, %dma_start3A_8] : memref<8192x256xf32, #tpu.memory_space<hbm>> -> memref<8192x256xf32, #tpu.memory_space<hbm>>
    tpu.enqueue_indirect_dma source(%dma_start3A_9 : memref<8192x256xf32, #tpu.memory_space<hbm>>) target(%dma_start3A_3 : memref<72x256xf32, #tpu.memory_space<vmem>>) offsets(%dma_start3A_6 : memref<72xi32, #tpu.memory_space<vmem>>) semaphore(%arg7 : memref<!tpu.dma_semaphore, #tpu.memory_space<semaphore_mem>>)
    %dma_start3A_10 = arith.constant 1 : i32
    %dma_start3A_11 = arith.constant 72 : i32
    %dma_start3A_12 = arith.constant 0 : i32
    %dma_start3A_13 = tpu.memref_slice %arg6[%dma_start3A_11, %dma_start3A_12] : memref<144x256xf32, #tpu.memory_space<vmem>> -> memref<72x256xf32, #tpu.memory_space<vmem>>
    %dma_start3A_14 = arith.constant 0 : i32
    %dma_start3A_15 = tpu.memref_slice %arg5[%dma_start3A_10, %dma_start3A_14] : memref<2x72xi32, #tpu.memory_space<vmem>> -> memref<1x72xi32, #tpu.memory_space<vmem>>
    %dma_start3A_16 = tpu.memref_squeeze %dma_start3A_15 : memref<1x72xi32, #tpu.memory_space<vmem>> -> memref<72xi32, #tpu.memory_space<vmem>>
    %dma_start3A_17 = arith.constant 0 : i32
    %dma_start3A_18 = arith.constant 0 : i32
    %dma_start3A_19 = tpu.memref_slice %arg2[%dma_start3A_17, %dma_start3A_18] : memref<8192x256xf32, #tpu.memory_space<hbm>> -> memref<8192x256xf32, #tpu.memory_space<hbm>>
    tpu.enqueue_indirect_dma source(%dma_start3A_19 : memref<8192x256xf32, #tpu.memory_space<hbm>>) target(%dma_start3A_13 : memref<72x256xf32, #tpu.memory_space<vmem>>) offsets(%dma_start3A_16 : memref<72xi32, #tpu.memory_space<vmem>>) semaphore(%arg7 : memref<!tpu.dma_semaphore, #tpu.memory_space<semaphore_mem>>)
    %mul3A_20 = arith.constant 144 : i32
    %mul3A_21 = arith.muli %mul3A_20, %add3A : i32
    %dma_wait3A = arith.constant 0 : i32
    %dma_wait3A_22 = arith.constant 0 : i32
    %dma_wait3A_23 = arith.constant 0 : i32
    %dma_wait3A_24 = tpu.memref_slice %arg6[%dma_wait3A_22, %dma_wait3A_23] : memref<144x256xf32, #tpu.memory_space<vmem>> -> memref<72x256xf32, #tpu.memory_space<vmem>>
    %dma_wait3A_25 = arith.constant 0 : i32
    %dma_wait3A_26 = tpu.memref_slice %arg5[%dma_wait3A, %dma_wait3A_25] : memref<2x72xi32, #tpu.memory_space<vmem>> -> memref<1x72xi32, #tpu.memory_space<vmem>>
    %dma_wait3A_27 = tpu.memref_squeeze %dma_wait3A_26 : memref<1x72xi32, #tpu.memory_space<vmem>> -> memref<72xi32, #tpu.memory_space<vmem>>
    %dma_wait3A_28 = arith.constant 0 : i32
    %dma_wait3A_29 = arith.constant 0 : i32
    %dma_wait3A_30 = tpu.memref_slice %arg2[%dma_wait3A_28, %dma_wait3A_29] : memref<8192x256xf32, #tpu.memory_space<hbm>> -> memref<8192x256xf32, #tpu.memory_space<hbm>>
    tpu.wait_indirect_dma semaphore(%arg7 : memref<!tpu.dma_semaphore, #tpu.memory_space<semaphore_mem>>) src(%dma_wait3A_30 : memref<8192x256xf32, #tpu.memory_space<hbm>>) dst(%dma_wait3A_24 : memref<72x256xf32, #tpu.memory_space<vmem>>)
    %add3A_31 = arith.constant 0 : i32
    %add3A_32 = arith.addi %mul3A_21, %add3A_31 : i32
    %dma_start3A_33 = arith.constant 0 : i32
    %dma_start3A_34 = arith.constant 0 : i32
    %dma_start3A_35 = tpu.memref_slice %arg6[%dma_start3A_33, %dma_start3A_34] : memref<144x256xf32, #tpu.memory_space<vmem>> -> memref<72x256xf32, #tpu.memory_space<vmem>>
    %dma_start3A_36 = arith.constant 0 : i32
    %dma_start3A_37 = tpu.memref_slice %arg4[%add3A_32, %dma_start3A_36] : memref<4608x256xf32, #tpu.memory_space<hbm>> -> memref<72x256xf32, #tpu.memory_space<hbm>>
    %dma_start3A_38 = arith.constant 0 : i32
    %dma_start3A_39 = tpu.memref_slice %arg4[%add3A_32, %dma_start3A_38] : memref<4608x256xf32, #tpu.memory_space<hbm>> -> memref<72x256xf32, #tpu.memory_space<hbm>>
    %dma_start3A_40 = arith.constant 0 : i32
    %dma_start3A_41 = arith.constant 0 : i32
    %dma_start3A_42 = tpu.memref_slice %arg6[%dma_start3A_40, %dma_start3A_41] : memref<144x256xf32, #tpu.memory_space<vmem>> -> memref<72x256xf32, #tpu.memory_space<vmem>>
    tpu.enqueue_dma source(%dma_start3A_42 : memref<72x256xf32, #tpu.memory_space<vmem>>) target(%dma_start3A_39 : memref<72x256xf32, #tpu.memory_space<hbm>>) target_semaphore(%arg8 : memref<!tpu.dma_semaphore, #tpu.memory_space<semaphore_mem>>)
    %dma_wait3A_43 = arith.constant 1 : i32
    %dma_wait3A_44 = arith.constant 72 : i32
    %dma_wait3A_45 = arith.constant 0 : i32
    %dma_wait3A_46 = tpu.memref_slice %arg6[%dma_wait3A_44, %dma_wait3A_45] : memref<144x256xf32, #tpu.memory_space<vmem>> -> memref<72x256xf32, #tpu.memory_space<vmem>>
    %dma_wait3A_47 = arith.constant 0 : i32
    %dma_wait3A_48 = tpu.memref_slice %arg5[%dma_wait3A_43, %dma_wait3A_47] : memref<2x72xi32, #tpu.memory_space<vmem>> -> memref<1x72xi32, #tpu.memory_space<vmem>>
    %dma_wait3A_49 = tpu.memref_squeeze %dma_wait3A_48 : memref<1x72xi32, #tpu.memory_space<vmem>> -> memref<72xi32, #tpu.memory_space<vmem>>
    %dma_wait3A_50 = arith.constant 0 : i32
    %dma_wait3A_51 = arith.constant 0 : i32
    %dma_wait3A_52 = tpu.memref_slice %arg2[%dma_wait3A_50, %dma_wait3A_51] : memref<8192x256xf32, #tpu.memory_space<hbm>> -> memref<8192x256xf32, #tpu.memory_space<hbm>>
    tpu.wait_indirect_dma semaphore(%arg7 : memref<!tpu.dma_semaphore, #tpu.memory_space<semaphore_mem>>) src(%dma_wait3A_52 : memref<8192x256xf32, #tpu.memory_space<hbm>>) dst(%dma_wait3A_46 : memref<72x256xf32, #tpu.memory_space<vmem>>)
    %add3A_53 = arith.constant 72 : i32
    %add3A_54 = arith.addi %mul3A_21, %add3A_53 : i32
    %dma_start3A_55 = arith.constant 72 : i32
    %dma_start3A_56 = arith.constant 0 : i32
    %dma_start3A_57 = tpu.memref_slice %arg6[%dma_start3A_55, %dma_start3A_56] : memref<144x256xf32, #tpu.memory_space<vmem>> -> memref<72x256xf32, #tpu.memory_space<vmem>>
    %dma_start3A_58 = arith.constant 0 : i32
    %dma_start3A_59 = tpu.memref_slice %arg4[%add3A_54, %dma_start3A_58] : memref<4608x256xf32, #tpu.memory_space<hbm>> -> memref<72x256xf32, #tpu.memory_space<hbm>>
    %dma_start3A_60 = arith.constant 0 : i32
    %dma_start3A_61 = tpu.memref_slice %arg4[%add3A_54, %dma_start3A_60] : memref<4608x256xf32, #tpu.memory_space<hbm>> -> memref<72x256xf32, #tpu.memory_space<hbm>>
    %dma_start3A_62 = arith.constant 72 : i32
    %dma_start3A_63 = arith.constant 0 : i32
    %dma_start3A_64 = tpu.memref_slice %arg6[%dma_start3A_62, %dma_start3A_63] : memref<144x256xf32, #tpu.memory_space<vmem>> -> memref<72x256xf32, #tpu.memory_space<vmem>>
    tpu.enqueue_dma source(%dma_start3A_64 : memref<72x256xf32, #tpu.memory_space<vmem>>) target(%dma_start3A_61 : memref<72x256xf32, #tpu.memory_space<hbm>>) target_semaphore(%arg8 : memref<!tpu.dma_semaphore, #tpu.memory_space<semaphore_mem>>)
    %dma_wait3A_65 = arith.constant 0 : i32
    %dma_wait3A_66 = arith.constant 0 : i32
    %dma_wait3A_67 = tpu.memref_slice %arg6[%dma_wait3A_65, %dma_wait3A_66] : memref<144x256xf32, #tpu.memory_space<vmem>> -> memref<72x256xf32, #tpu.memory_space<vmem>>
    %dma_wait3A_68 = arith.constant 0 : i32
    %dma_wait3A_69 = tpu.memref_slice %arg4[%add3A_32, %dma_wait3A_68] : memref<4608x256xf32, #tpu.memory_space<hbm>> -> memref<72x256xf32, #tpu.memory_space<hbm>>
    %dma_wait3A_70 = arith.constant 0 : i32
    %dma_wait3A_71 = tpu.memref_slice %arg4[%add3A_32, %dma_wait3A_70] : memref<4608x256xf32, #tpu.memory_space<hbm>> -> memref<72x256xf32, #tpu.memory_space<hbm>>
    %dma_wait3A_72 = arith.constant 0 : i32
    %dma_wait3A_73 = arith.constant 0 : i32
    %dma_wait3A_74 = tpu.memref_slice %arg6[%dma_wait3A_72, %dma_wait3A_73] : memref<144x256xf32, #tpu.memory_space<vmem>> -> memref<72x256xf32, #tpu.memory_space<vmem>>
    tpu.wait_dma2 semaphore(%arg8 : memref<!tpu.dma_semaphore, #tpu.memory_space<semaphore_mem>>) src(%dma_wait3A_74 : memref<72x256xf32, #tpu.memory_space<vmem>>) dst(%dma_wait3A_71 : memref<72x256xf32, #tpu.memory_space<hbm>>)
    %dma_wait3A_75 = arith.constant 72 : i32
    %dma_wait3A_76 = arith.constant 0 : i32
    %dma_wait3A_77 = tpu.memref_slice %arg6[%dma_wait3A_75, %dma_wait3A_76] : memref<144x256xf32, #tpu.memory_space<vmem>> -> memref<72x256xf32, #tpu.memory_space<vmem>>
    %dma_wait3A_78 = arith.constant 0 : i32
    %dma_wait3A_79 = tpu.memref_slice %arg4[%add3A_54, %dma_wait3A_78] : memref<4608x256xf32, #tpu.memory_space<hbm>> -> memref<72x256xf32, #tpu.memory_space<hbm>>
    %dma_wait3A_80 = arith.constant 0 : i32
    %dma_wait3A_81 = tpu.memref_slice %arg4[%add3A_54, %dma_wait3A_80] : memref<4608x256xf32, #tpu.memory_space<hbm>> -> memref<72x256xf32, #tpu.memory_space<hbm>>
    %dma_wait3A_82 = arith.constant 72 : i32
    %dma_wait3A_83 = arith.constant 0 : i32
    %dma_wait3A_84 = tpu.memref_slice %arg6[%dma_wait3A_82, %dma_wait3A_83] : memref<144x256xf32, #tpu.memory_space<vmem>> -> memref<72x256xf32, #tpu.memory_space<vmem>>
    tpu.wait_dma2 semaphore(%arg8 : memref<!tpu.dma_semaphore, #tpu.memory_space<semaphore_mem>>) src(%dma_wait3A_84 : memref<72x256xf32, #tpu.memory_space<vmem>>) dst(%dma_wait3A_81 : memref<72x256xf32, #tpu.memory_space<hbm>>)
    return
  }
}

module attributes {stable_mosaic.version = 14 : i64} {
  func.func @_argmin_body(%arg0: i32, %arg1: memref<4608x256xf32, #tpu.memory_space<vmem>>, %arg2: memref<4096x256xf32, #tpu.memory_space<vmem>>, %arg3: memref<4608x1xi32, #tpu.memory_space<vmem>>, %arg4: memref<4608x128xf32, #tpu.memory_space<vmem>>, %arg5: memref<4608x128xf32, #tpu.memory_space<vmem>>, %arg6: memref<4608x256xf32, #tpu.memory_space<vmem>>, %arg7: memref<4608x1xf32, #tpu.memory_space<vmem>>) attributes {dimension_semantics = [#tpu.dimension_semantics<arbitrary>], iteration_bounds = array<i64: 2>, scalar_prefetch = 0 : i64, scratch_operands = 4 : i64, tpu.core_type = #tpu.core_type<tc>, window_params = [{pipeline_mode = #tpu.pipeline_mode<synchronous>, transform_indices = @transform_0, window_bounds = array<i64: 4608, 256>}, {transform_indices = @transform_1, window_bounds = array<i64: 4096, 256>}, {pipeline_mode = #tpu.pipeline_mode<synchronous>, transform_indices = @transform_2, window_bounds = array<i64: 4608, 1>}]} {
    %eq3A = arith.constant 0 : i32
    %eq3A_0 = arith.cmpi eq, %arg0, %eq3A : i32
    %convert_element_type3A = arith.extui %eq3A_0 : i1 to i32
    %cond3A = arith.constant 0 : i32
    %cond3A_1 = arith.cmpi ne, %convert_element_type3A, %cond3A : i32
    scf.if %cond3A_1 {
      %broadcast_in_dim3A_607 = arith.constant 0x7F800000 : f32
      %broadcast_in_dim3A_608 = vector.broadcast %broadcast_in_dim3A_607 : f32 to vector<4608x128xf32>
      %swap3A_609 = arith.constant 0 : index
      %swap3A_610 = arith.constant 0 : index
      %swap3A_611 = vector.load %arg4[%swap3A_609, %swap3A_610] : memref<4608x128xf32, #tpu.memory_space<vmem>>, vector<4608x128xf32>
      tpu.vector_store %arg4[%swap3A_609, %swap3A_610], %broadcast_in_dim3A_608 {strides = array<i32>} : memref<4608x128xf32, #tpu.memory_space<vmem>>, vector<4608x128xf32>,
      %broadcast_in_dim3A_612 = arith.constant 0.000000e+00 : f32
      %broadcast_in_dim3A_613 = vector.broadcast %broadcast_in_dim3A_612 : f32 to vector<4608x128xf32>
      %swap3A_614 = arith.constant 0 : index
      %swap3A_615 = arith.constant 0 : index
      %swap3A_616 = vector.load %arg5[%swap3A_614, %swap3A_615] : memref<4608x128xf32, #tpu.memory_space<vmem>>, vector<4608x128xf32>
      tpu.vector_store %arg5[%swap3A_614, %swap3A_615], %broadcast_in_dim3A_613 {strides = array<i32>} : memref<4608x128xf32, #tpu.memory_space<vmem>>, vector<4608x128xf32>,
      %get3A_617 = arith.constant 0 : index
      %get3A_618 = arith.constant 0 : index
      %get3A_619 = vector.load %arg1[%get3A_617, %get3A_618] : memref<4608x256xf32, #tpu.memory_space<vmem>>, vector<4608x256xf32>
      %mul3A_620 = arith.constant -2.000000e+00 : f32
      %mul3A_621 = vector.broadcast %mul3A_620 : f32 to vector<4608x256xf32>
      %mul3A_622 = arith.mulf %get3A_619, %mul3A_621 : vector<4608x256xf32>
      %swap3A_623 = arith.constant 0 : index
      %swap3A_624 = arith.constant 0 : index
      %swap3A_625 = vector.load %arg6[%swap3A_623, %swap3A_624] : memref<4608x256xf32, #tpu.memory_space<vmem>>, vector<4608x256xf32>
      tpu.vector_store %arg6[%swap3A_623, %swap3A_624], %mul3A_622 {strides = array<i32>} : memref<4608x256xf32, #tpu.memory_space<vmem>>, vector<4608x256xf32>,
      %get3A_626 = arith.constant 0 : index
      %get3A_627 = arith.constant 0 : index
      %get3A_628 = vector.load %arg1[%get3A_626, %get3A_627] : memref<4608x256xf32, #tpu.memory_space<vmem>>, vector<4608x256xf32>
      %square3A_629 = arith.mulf %get3A_628, %get3A_628 : vector<4608x256xf32>
      %reduce_sum3A_630 = arith.constant dense<0.000000e+00> : vector<4608xf32>
      %reduce_sum3A_631 = vector.multi_reduction <add>, %square3A_629, %reduce_sum3A_630 [1] : vector<4608x256xf32> to vector<4608xf32>
      %broadcast_in_dim3A_632 = vector.shape_cast %reduce_sum3A_631 : vector<4608xf32> to vector<4608x1xf32>
      %swap3A_633 = arith.constant 0 : index
      %swap3A_634 = arith.constant 0 : index
      %swap3A_635 = vector.load %arg7[%swap3A_633, %swap3A_634] : memref<4608x1xf32, #tpu.memory_space<vmem>>, vector<4608x1xf32>
      tpu.vector_store %arg7[%swap3A_633, %swap3A_634], %broadcast_in_dim3A_632 {strides = array<i32>} : memref<4608x1xf32, #tpu.memory_space<vmem>>, vector<4608x1xf32>,
    } else {
    }
    %iota3A = tpu.iota {dimensions = array<i32: 1>} : vector<4608x128xi32>
    %convert_element_type3A_2 = arith.sitofp %iota3A : vector<4608x128xi32> to vector<4608x128xf32>
    %mul3A = arith.constant 4096 : i32
    %mul3A_3 = arith.muli %arg0, %mul3A : i32
    %convert_element_type3A_4 = arith.sitofp %mul3A_3 : i32 to f32
    %get3A = arith.constant 0 : index
    %get3A_5 = arith.constant 0 : index
    %get3A_6 = vector.load %arg7[%get3A, %get3A_5] : memref<4608x1xf32, #tpu.memory_space<vmem>>, vector<4608x1xf32>
    %get3A_7 = arith.constant 0 : index
    %get3A_8 = arith.constant 0 : index
    %get3A_9 = vector.load %arg2[%get3A_7, %get3A_8] : memref<4096x256xf32, #tpu.memory_space<vmem>>, vector<256x256xf32>
    %square3A = arith.mulf %get3A_9, %get3A_9 : vector<256x256xf32>
    %reduce_sum3A = arith.constant dense<0.000000e+00> : vector<256xf32>
    %reduce_sum3A_10 = vector.multi_reduction <add>, %square3A, %reduce_sum3A [1] : vector<256x256xf32> to vector<256xf32>
    %broadcast_in_dim3A = vector.shape_cast %reduce_sum3A_10 : vector<256xf32> to vector<256x1xf32>
    %transpose3A = tpu.transpose %broadcast_in_dim3A, [1, 0] : vector<256x1xf32> -> vector<1x256xf32>
    %get3A_11 = arith.constant 0 : index
    %get3A_12 = arith.constant 0 : index
    %get3A_13 = vector.load %arg6[%get3A_11, %get3A_12] : memref<4608x256xf32, #tpu.memory_space<vmem>>, vector<4608x256xf32>
    %dot_general3A = arith.constant dense<0.000000e+00> : vector<4608x256xf32>
    %dot_general3A_14 = tpu.matmul %get3A_13, %get3A_9, %dot_general3A {dimension_numbers = #tpu.dot_dimension_numbers<[1], [1], [0], [0], [0, 0, 1, 0], [], []>, transpose_lhs_hint = false} : vector<4608x256xf32>, vector<256x256xf32>, vector<4608x256xf32> -> vector<4608x256xf32>
    %slice3A = vector.extract_strided_slice %dot_general3A_14 {offsets = [0, 0], sizes = [4608, 128], strides = [1, 1]} : vector<4608x256xf32> to vector<4608x128xf32>
    %add3A = vector.broadcast %get3A_6 : vector<4608x1xf32> to vector<4608x128xf32>
    %add3A_15 = arith.addf %add3A, %slice3A : vector<4608x128xf32>
    %slice3A_16 = vector.extract_strided_slice %transpose3A {offsets = [0, 0], sizes = [1, 128], strides = [1, 1]} : vector<1x256xf32> to vector<1x128xf32>
    %add3A_17 = vector.broadcast %slice3A_16 : vector<1x128xf32> to vector<4608x128xf32>
    %add3A_18 = arith.addf %add3A_15, %add3A_17 : vector<4608x128xf32>
    %slice3A_19 = vector.extract_strided_slice %dot_general3A_14 {offsets = [0, 128], sizes = [4608, 128], strides = [1, 1]} : vector<4608x256xf32> to vector<4608x128xf32>
    %add3A_20 = vector.broadcast %get3A_6 : vector<4608x1xf32> to vector<4608x128xf32>
    %add3A_21 = arith.addf %add3A_20, %slice3A_19 : vector<4608x128xf32>
    %slice3A_22 = vector.extract_strided_slice %transpose3A {offsets = [0, 128], sizes = [1, 128], strides = [1, 1]} : vector<1x256xf32> to vector<1x128xf32>
    %add3A_23 = vector.broadcast %slice3A_22 : vector<1x128xf32> to vector<4608x128xf32>
    %add3A_24 = arith.addf %add3A_21, %add3A_23 : vector<4608x128xf32>
    %add3A_25 = arith.constant 0.000000e+00 : f32
    %add3A_26 = vector.broadcast %add3A_25 : f32 to vector<4608x128xf32>
    %add3A_27 = arith.addf %convert_element_type3A_2, %add3A_26 : vector<4608x128xf32>
    %add3A_28 = arith.constant 1.280000e+02 : f32
    %add3A_29 = vector.broadcast %add3A_28 : f32 to vector<4608x128xf32>
    %add3A_30 = arith.addf %convert_element_type3A_2, %add3A_29 : vector<4608x128xf32>
    %lt3A = arith.cmpf olt, %add3A_24, %add3A_18 : vector<4608x128xf32>
    %min3A = arith.minimumf %add3A_18, %add3A_24 : vector<4608x128xf32>
    %select_n3A = arith.select %lt3A, %add3A_30, %add3A_27 : vector<4608x128xi1>, vector<4608x128xf32>
    %get3A_31 = arith.constant 256 : index
    %get3A_32 = arith.constant 0 : index
    %get3A_33 = vector.load %arg2[%get3A_31, %get3A_32] : memref<4096x256xf32, #tpu.memory_space<vmem>>, vector<256x256xf32>
    %square3A_34 = arith.mulf %get3A_33, %get3A_33 : vector<256x256xf32>
    %reduce_sum3A_35 = arith.constant dense<0.000000e+00> : vector<256xf32>
    %reduce_sum3A_36 = vector.multi_reduction <add>, %square3A_34, %reduce_sum3A_35 [1] : vector<256x256xf32> to vector<256xf32>
    %broadcast_in_dim3A_37 = vector.shape_cast %reduce_sum3A_36 : vector<256xf32> to vector<256x1xf32>
    %transpose3A_38 = tpu.transpose %broadcast_in_dim3A_37, [1, 0] : vector<256x1xf32> -> vector<1x256xf32>
    %get3A_39 = arith.constant 0 : index
    %get3A_40 = arith.constant 0 : index
    %get3A_41 = vector.load %arg6[%get3A_39, %get3A_40] : memref<4608x256xf32, #tpu.memory_space<vmem>>, vector<4608x256xf32>
    %dot_general3A_42 = arith.constant dense<0.000000e+00> : vector<4608x256xf32>
    %dot_general3A_43 = tpu.matmul %get3A_41, %get3A_33, %dot_general3A_42 {dimension_numbers = #tpu.dot_dimension_numbers<[1], [1], [0], [0], [0, 0, 1, 0], [], []>, transpose_lhs_hint = false} : vector<4608x256xf32>, vector<256x256xf32>, vector<4608x256xf32> -> vector<4608x256xf32>
    %slice3A_44 = vector.extract_strided_slice %dot_general3A_43 {offsets = [0, 0], sizes = [4608, 128], strides = [1, 1]} : vector<4608x256xf32> to vector<4608x128xf32>
    %add3A_45 = vector.broadcast %get3A_6 : vector<4608x1xf32> to vector<4608x128xf32>
    %add3A_46 = arith.addf %add3A_45, %slice3A_44 : vector<4608x128xf32>
    %slice3A_47 = vector.extract_strided_slice %transpose3A_38 {offsets = [0, 0], sizes = [1, 128], strides = [1, 1]} : vector<1x256xf32> to vector<1x128xf32>
    %add3A_48 = vector.broadcast %slice3A_47 : vector<1x128xf32> to vector<4608x128xf32>
    %add3A_49 = arith.addf %add3A_46, %add3A_48 : vector<4608x128xf32>
    %slice3A_50 = vector.extract_strided_slice %dot_general3A_43 {offsets = [0, 128], sizes = [4608, 128], strides = [1, 1]} : vector<4608x256xf32> to vector<4608x128xf32>
    %add3A_51 = vector.broadcast %get3A_6 : vector<4608x1xf32> to vector<4608x128xf32>
    %add3A_52 = arith.addf %add3A_51, %slice3A_50 : vector<4608x128xf32>
    %slice3A_53 = vector.extract_strided_slice %transpose3A_38 {offsets = [0, 128], sizes = [1, 128], strides = [1, 1]} : vector<1x256xf32> to vector<1x128xf32>
    %add3A_54 = vector.broadcast %slice3A_53 : vector<1x128xf32> to vector<4608x128xf32>
    %add3A_55 = arith.addf %add3A_52, %add3A_54 : vector<4608x128xf32>
    %add3A_56 = arith.constant 2.560000e+02 : f32
    %add3A_57 = vector.broadcast %add3A_56 : f32 to vector<4608x128xf32>
    %add3A_58 = arith.addf %convert_element_type3A_2, %add3A_57 : vector<4608x128xf32>
    %add3A_59 = arith.constant 3.840000e+02 : f32
    %add3A_60 = vector.broadcast %add3A_59 : f32 to vector<4608x128xf32>
    %add3A_61 = arith.addf %convert_element_type3A_2, %add3A_60 : vector<4608x128xf32>
    %lt3A_62 = arith.cmpf olt, %add3A_55, %add3A_49 : vector<4608x128xf32>
    %min3A_63 = arith.minimumf %add3A_49, %add3A_55 : vector<4608x128xf32>
    %select_n3A_64 = arith.select %lt3A_62, %add3A_61, %add3A_58 : vector<4608x128xi1>, vector<4608x128xf32>
    %get3A_65 = arith.constant 512 : index
    %get3A_66 = arith.constant 0 : index
    %get3A_67 = vector.load %arg2[%get3A_65, %get3A_66] : memref<4096x256xf32, #tpu.memory_space<vmem>>, vector<256x256xf32>
    %square3A_68 = arith.mulf %get3A_67, %get3A_67 : vector<256x256xf32>
    %reduce_sum3A_69 = arith.constant dense<0.000000e+00> : vector<256xf32>
    %reduce_sum3A_70 = vector.multi_reduction <add>, %square3A_68, %reduce_sum3A_69 [1] : vector<256x256xf32> to vector<256xf32>
    %broadcast_in_dim3A_71 = vector.shape_cast %reduce_sum3A_70 : vector<256xf32> to vector<256x1xf32>
    %transpose3A_72 = tpu.transpose %broadcast_in_dim3A_71, [1, 0] : vector<256x1xf32> -> vector<1x256xf32>
    %get3A_73 = arith.constant 0 : index
    %get3A_74 = arith.constant 0 : index
    %get3A_75 = vector.load %arg6[%get3A_73, %get3A_74] : memref<4608x256xf32, #tpu.memory_space<vmem>>, vector<4608x256xf32>
    %dot_general3A_76 = arith.constant dense<0.000000e+00> : vector<4608x256xf32>
    %dot_general3A_77 = tpu.matmul %get3A_75, %get3A_67, %dot_general3A_76 {dimension_numbers = #tpu.dot_dimension_numbers<[1], [1], [0], [0], [0, 0, 1, 0], [], []>, transpose_lhs_hint = false} : vector<4608x256xf32>, vector<256x256xf32>, vector<4608x256xf32> -> vector<4608x256xf32>
    %slice3A_78 = vector.extract_strided_slice %dot_general3A_77 {offsets = [0, 0], sizes = [4608, 128], strides = [1, 1]} : vector<4608x256xf32> to vector<4608x128xf32>
    %add3A_79 = vector.broadcast %get3A_6 : vector<4608x1xf32> to vector<4608x128xf32>
    %add3A_80 = arith.addf %add3A_79, %slice3A_78 : vector<4608x128xf32>
    %slice3A_81 = vector.extract_strided_slice %transpose3A_72 {offsets = [0, 0], sizes = [1, 128], strides = [1, 1]} : vector<1x256xf32> to vector<1x128xf32>
    %add3A_82 = vector.broadcast %slice3A_81 : vector<1x128xf32> to vector<4608x128xf32>
    %add3A_83 = arith.addf %add3A_80, %add3A_82 : vector<4608x128xf32>
    %slice3A_84 = vector.extract_strided_slice %dot_general3A_77 {offsets = [0, 128], sizes = [4608, 128], strides = [1, 1]} : vector<4608x256xf32> to vector<4608x128xf32>
    %add3A_85 = vector.broadcast %get3A_6 : vector<4608x1xf32> to vector<4608x128xf32>
    %add3A_86 = arith.addf %add3A_85, %slice3A_84 : vector<4608x128xf32>
    %slice3A_87 = vector.extract_strided_slice %transpose3A_72 {offsets = [0, 128], sizes = [1, 128], strides = [1, 1]} : vector<1x256xf32> to vector<1x128xf32>
    %add3A_88 = vector.broadcast %slice3A_87 : vector<1x128xf32> to vector<4608x128xf32>
    %add3A_89 = arith.addf %add3A_86, %add3A_88 : vector<4608x128xf32>
    %add3A_90 = arith.constant 5.120000e+02 : f32
    %add3A_91 = vector.broadcast %add3A_90 : f32 to vector<4608x128xf32>
    %add3A_92 = arith.addf %convert_element_type3A_2, %add3A_91 : vector<4608x128xf32>
    %add3A_93 = arith.constant 6.400000e+02 : f32
    %add3A_94 = vector.broadcast %add3A_93 : f32 to vector<4608x128xf32>
    %add3A_95 = arith.addf %convert_element_type3A_2, %add3A_94 : vector<4608x128xf32>
    %lt3A_96 = arith.cmpf olt, %add3A_89, %add3A_83 : vector<4608x128xf32>
    %min3A_97 = arith.minimumf %add3A_83, %add3A_89 : vector<4608x128xf32>
    %select_n3A_98 = arith.select %lt3A_96, %add3A_95, %add3A_92 : vector<4608x128xi1>, vector<4608x128xf32>
    %get3A_99 = arith.constant 768 : index
    %get3A_100 = arith.constant 0 : index
    %get3A_101 = vector.load %arg2[%get3A_99, %get3A_100] : memref<4096x256xf32, #tpu.memory_space<vmem>>, vector<256x256xf32>
    %square3A_102 = arith.mulf %get3A_101, %get3A_101 : vector<256x256xf32>
    %reduce_sum3A_103 = arith.constant dense<0.000000e+00> : vector<256xf32>
    %reduce_sum3A_104 = vector.multi_reduction <add>, %square3A_102, %reduce_sum3A_103 [1] : vector<256x256xf32> to vector<256xf32>
    %broadcast_in_dim3A_105 = vector.shape_cast %reduce_sum3A_104 : vector<256xf32> to vector<256x1xf32>
    %transpose3A_106 = tpu.transpose %broadcast_in_dim3A_105, [1, 0] : vector<256x1xf32> -> vector<1x256xf32>
    %get3A_107 = arith.constant 0 : index
    %get3A_108 = arith.constant 0 : index
    %get3A_109 = vector.load %arg6[%get3A_107, %get3A_108] : memref<4608x256xf32, #tpu.memory_space<vmem>>, vector<4608x256xf32>
    %dot_general3A_110 = arith.constant dense<0.000000e+00> : vector<4608x256xf32>
    %dot_general3A_111 = tpu.matmul %get3A_109, %get3A_101, %dot_general3A_110 {dimension_numbers = #tpu.dot_dimension_numbers<[1], [1], [0], [0], [0, 0, 1, 0], [], []>, transpose_lhs_hint = false} : vector<4608x256xf32>, vector<256x256xf32>, vector<4608x256xf32> -> vector<4608x256xf32>
    %slice3A_112 = vector.extract_strided_slice %dot_general3A_111 {offsets = [0, 0], sizes = [4608, 128], strides = [1, 1]} : vector<4608x256xf32> to vector<4608x128xf32>
    %add3A_113 = vector.broadcast %get3A_6 : vector<4608x1xf32> to vector<4608x128xf32>
    %add3A_114 = arith.addf %add3A_113, %slice3A_112 : vector<4608x128xf32>
    %slice3A_115 = vector.extract_strided_slice %transpose3A_106 {offsets = [0, 0], sizes = [1, 128], strides = [1, 1]} : vector<1x256xf32> to vector<1x128xf32>
    %add3A_116 = vector.broadcast %slice3A_115 : vector<1x128xf32> to vector<4608x128xf32>
    %add3A_117 = arith.addf %add3A_114, %add3A_116 : vector<4608x128xf32>
    %slice3A_118 = vector.extract_strided_slice %dot_general3A_111 {offsets = [0, 128], sizes = [4608, 128], strides = [1, 1]} : vector<4608x256xf32> to vector<4608x128xf32>
    %add3A_119 = vector.broadcast %get3A_6 : vector<4608x1xf32> to vector<4608x128xf32>
    %add3A_120 = arith.addf %add3A_119, %slice3A_118 : vector<4608x128xf32>
    %slice3A_121 = vector.extract_strided_slice %transpose3A_106 {offsets = [0, 128], sizes = [1, 128], strides = [1, 1]} : vector<1x256xf32> to vector<1x128xf32>
    %add3A_122 = vector.broadcast %slice3A_121 : vector<1x128xf32> to vector<4608x128xf32>
    %add3A_123 = arith.addf %add3A_120, %add3A_122 : vector<4608x128xf32>
    %add3A_124 = arith.constant 7.680000e+02 : f32
    %add3A_125 = vector.broadcast %add3A_124 : f32 to vector<4608x128xf32>
    %add3A_126 = arith.addf %convert_element_type3A_2, %add3A_125 : vector<4608x128xf32>
    %add3A_127 = arith.constant 8.960000e+02 : f32
    %add3A_128 = vector.broadcast %add3A_127 : f32 to vector<4608x128xf32>
    %add3A_129 = arith.addf %convert_element_type3A_2, %add3A_128 : vector<4608x128xf32>
    %lt3A_130 = arith.cmpf olt, %add3A_123, %add3A_117 : vector<4608x128xf32>
    %min3A_131 = arith.minimumf %add3A_117, %add3A_123 : vector<4608x128xf32>
    %select_n3A_132 = arith.select %lt3A_130, %add3A_129, %add3A_126 : vector<4608x128xi1>, vector<4608x128xf32>
    %get3A_133 = arith.constant 1024 : index
    %get3A_134 = arith.constant 0 : index
    %get3A_135 = vector.load %arg2[%get3A_133, %get3A_134] : memref<4096x256xf32, #tpu.memory_space<vmem>>, vector<256x256xf32>
    %square3A_136 = arith.mulf %get3A_135, %get3A_135 : vector<256x256xf32>
    %reduce_sum3A_137 = arith.constant dense<0.000000e+00> : vector<256xf32>
    %reduce_sum3A_138 = vector.multi_reduction <add>, %square3A_136, %reduce_sum3A_137 [1] : vector<256x256xf32> to vector<256xf32>
    %broadcast_in_dim3A_139 = vector.shape_cast %reduce_sum3A_138 : vector<256xf32> to vector<256x1xf32>
    %transpose3A_140 = tpu.transpose %broadcast_in_dim3A_139, [1, 0] : vector<256x1xf32> -> vector<1x256xf32>
    %get3A_141 = arith.constant 0 : index
    %get3A_142 = arith.constant 0 : index
    %get3A_143 = vector.load %arg6[%get3A_141, %get3A_142] : memref<4608x256xf32, #tpu.memory_space<vmem>>, vector<4608x256xf32>
    %dot_general3A_144 = arith.constant dense<0.000000e+00> : vector<4608x256xf32>
    %dot_general3A_145 = tpu.matmul %get3A_143, %get3A_135, %dot_general3A_144 {dimension_numbers = #tpu.dot_dimension_numbers<[1], [1], [0], [0], [0, 0, 1, 0], [], []>, transpose_lhs_hint = false} : vector<4608x256xf32>, vector<256x256xf32>, vector<4608x256xf32> -> vector<4608x256xf32>
    %slice3A_146 = vector.extract_strided_slice %dot_general3A_145 {offsets = [0, 0], sizes = [4608, 128], strides = [1, 1]} : vector<4608x256xf32> to vector<4608x128xf32>
    %add3A_147 = vector.broadcast %get3A_6 : vector<4608x1xf32> to vector<4608x128xf32>
    %add3A_148 = arith.addf %add3A_147, %slice3A_146 : vector<4608x128xf32>
    %slice3A_149 = vector.extract_strided_slice %transpose3A_140 {offsets = [0, 0], sizes = [1, 128], strides = [1, 1]} : vector<1x256xf32> to vector<1x128xf32>
    %add3A_150 = vector.broadcast %slice3A_149 : vector<1x128xf32> to vector<4608x128xf32>
    %add3A_151 = arith.addf %add3A_148, %add3A_150 : vector<4608x128xf32>
    %slice3A_152 = vector.extract_strided_slice %dot_general3A_145 {offsets = [0, 128], sizes = [4608, 128], strides = [1, 1]} : vector<4608x256xf32> to vector<4608x128xf32>
    %add3A_153 = vector.broadcast %get3A_6 : vector<4608x1xf32> to vector<4608x128xf32>
    %add3A_154 = arith.addf %add3A_153, %slice3A_152 : vector<4608x128xf32>
    %slice3A_155 = vector.extract_strided_slice %transpose3A_140 {offsets = [0, 128], sizes = [1, 128], strides = [1, 1]} : vector<1x256xf32> to vector<1x128xf32>
    %add3A_156 = vector.broadcast %slice3A_155 : vector<1x128xf32> to vector<4608x128xf32>
    %add3A_157 = arith.addf %add3A_154, %add3A_156 : vector<4608x128xf32>
    %add3A_158 = arith.constant 1.024000e+03 : f32
    %add3A_159 = vector.broadcast %add3A_158 : f32 to vector<4608x128xf32>
    %add3A_160 = arith.addf %convert_element_type3A_2, %add3A_159 : vector<4608x128xf32>
    %add3A_161 = arith.constant 1.152000e+03 : f32
    %add3A_162 = vector.broadcast %add3A_161 : f32 to vector<4608x128xf32>
    %add3A_163 = arith.addf %convert_element_type3A_2, %add3A_162 : vector<4608x128xf32>
    %lt3A_164 = arith.cmpf olt, %add3A_157, %add3A_151 : vector<4608x128xf32>
    %min3A_165 = arith.minimumf %add3A_151, %add3A_157 : vector<4608x128xf32>
    %select_n3A_166 = arith.select %lt3A_164, %add3A_163, %add3A_160 : vector<4608x128xi1>, vector<4608x128xf32>
    %get3A_167 = arith.constant 1280 : index
    %get3A_168 = arith.constant 0 : index
    %get3A_169 = vector.load %arg2[%get3A_167, %get3A_168] : memref<4096x256xf32, #tpu.memory_space<vmem>>, vector<256x256xf32>
    %square3A_170 = arith.mulf %get3A_169, %get3A_169 : vector<256x256xf32>
    %reduce_sum3A_171 = arith.constant dense<0.000000e+00> : vector<256xf32>
    %reduce_sum3A_172 = vector.multi_reduction <add>, %square3A_170, %reduce_sum3A_171 [1] : vector<256x256xf32> to vector<256xf32>
    %broadcast_in_dim3A_173 = vector.shape_cast %reduce_sum3A_172 : vector<256xf32> to vector<256x1xf32>
    %transpose3A_174 = tpu.transpose %broadcast_in_dim3A_173, [1, 0] : vector<256x1xf32> -> vector<1x256xf32>
    %get3A_175 = arith.constant 0 : index
    %get3A_176 = arith.constant 0 : index
    %get3A_177 = vector.load %arg6[%get3A_175, %get3A_176] : memref<4608x256xf32, #tpu.memory_space<vmem>>, vector<4608x256xf32>
    %dot_general3A_178 = arith.constant dense<0.000000e+00> : vector<4608x256xf32>
    %dot_general3A_179 = tpu.matmul %get3A_177, %get3A_169, %dot_general3A_178 {dimension_numbers = #tpu.dot_dimension_numbers<[1], [1], [0], [0], [0, 0, 1, 0], [], []>, transpose_lhs_hint = false} : vector<4608x256xf32>, vector<256x256xf32>, vector<4608x256xf32> -> vector<4608x256xf32>
    %slice3A_180 = vector.extract_strided_slice %dot_general3A_179 {offsets = [0, 0], sizes = [4608, 128], strides = [1, 1]} : vector<4608x256xf32> to vector<4608x128xf32>
    %add3A_181 = vector.broadcast %get3A_6 : vector<4608x1xf32> to vector<4608x128xf32>
    %add3A_182 = arith.addf %add3A_181, %slice3A_180 : vector<4608x128xf32>
    %slice3A_183 = vector.extract_strided_slice %transpose3A_174 {offsets = [0, 0], sizes = [1, 128], strides = [1, 1]} : vector<1x256xf32> to vector<1x128xf32>
    %add3A_184 = vector.broadcast %slice3A_183 : vector<1x128xf32> to vector<4608x128xf32>
    %add3A_185 = arith.addf %add3A_182, %add3A_184 : vector<4608x128xf32>
    %slice3A_186 = vector.extract_strided_slice %dot_general3A_179 {offsets = [0, 128], sizes = [4608, 128], strides = [1, 1]} : vector<4608x256xf32> to vector<4608x128xf32>
    %add3A_187 = vector.broadcast %get3A_6 : vector<4608x1xf32> to vector<4608x128xf32>
    %add3A_188 = arith.addf %add3A_187, %slice3A_186 : vector<4608x128xf32>
    %slice3A_189 = vector.extract_strided_slice %transpose3A_174 {offsets = [0, 128], sizes = [1, 128], strides = [1, 1]} : vector<1x256xf32> to vector<1x128xf32>
    %add3A_190 = vector.broadcast %slice3A_189 : vector<1x128xf32> to vector<4608x128xf32>
    %add3A_191 = arith.addf %add3A_188, %add3A_190 : vector<4608x128xf32>
    %add3A_192 = arith.constant 1.280000e+03 : f32
    %add3A_193 = vector.broadcast %add3A_192 : f32 to vector<4608x128xf32>
    %add3A_194 = arith.addf %convert_element_type3A_2, %add3A_193 : vector<4608x128xf32>
    %add3A_195 = arith.constant 1.408000e+03 : f32
    %add3A_196 = vector.broadcast %add3A_195 : f32 to vector<4608x128xf32>
    %add3A_197 = arith.addf %convert_element_type3A_2, %add3A_196 : vector<4608x128xf32>
    %lt3A_198 = arith.cmpf olt, %add3A_191, %add3A_185 : vector<4608x128xf32>
    %min3A_199 = arith.minimumf %add3A_185, %add3A_191 : vector<4608x128xf32>
    %select_n3A_200 = arith.select %lt3A_198, %add3A_197, %add3A_194 : vector<4608x128xi1>, vector<4608x128xf32>
    %get3A_201 = arith.constant 1536 : index
    %get3A_202 = arith.constant 0 : index
    %get3A_203 = vector.load %arg2[%get3A_201, %get3A_202] : memref<4096x256xf32, #tpu.memory_space<vmem>>, vector<256x256xf32>
    %square3A_204 = arith.mulf %get3A_203, %get3A_203 : vector<256x256xf32>
    %reduce_sum3A_205 = arith.constant dense<0.000000e+00> : vector<256xf32>
    %reduce_sum3A_206 = vector.multi_reduction <add>, %square3A_204, %reduce_sum3A_205 [1] : vector<256x256xf32> to vector<256xf32>
    %broadcast_in_dim3A_207 = vector.shape_cast %reduce_sum3A_206 : vector<256xf32> to vector<256x1xf32>
    %transpose3A_208 = tpu.transpose %broadcast_in_dim3A_207, [1, 0] : vector<256x1xf32> -> vector<1x256xf32>
    %get3A_209 = arith.constant 0 : index
    %get3A_210 = arith.constant 0 : index
    %get3A_211 = vector.load %arg6[%get3A_209, %get3A_210] : memref<4608x256xf32, #tpu.memory_space<vmem>>, vector<4608x256xf32>
    %dot_general3A_212 = arith.constant dense<0.000000e+00> : vector<4608x256xf32>
    %dot_general3A_213 = tpu.matmul %get3A_211, %get3A_203, %dot_general3A_212 {dimension_numbers = #tpu.dot_dimension_numbers<[1], [1], [0], [0], [0, 0, 1, 0], [], []>, transpose_lhs_hint = false} : vector<4608x256xf32>, vector<256x256xf32>, vector<4608x256xf32> -> vector<4608x256xf32>
    %slice3A_214 = vector.extract_strided_slice %dot_general3A_213 {offsets = [0, 0], sizes = [4608, 128], strides = [1, 1]} : vector<4608x256xf32> to vector<4608x128xf32>
    %add3A_215 = vector.broadcast %get3A_6 : vector<4608x1xf32> to vector<4608x128xf32>
    %add3A_216 = arith.addf %add3A_215, %slice3A_214 : vector<4608x128xf32>
    %slice3A_217 = vector.extract_strided_slice %transpose3A_208 {offsets = [0, 0], sizes = [1, 128], strides = [1, 1]} : vector<1x256xf32> to vector<1x128xf32>
    %add3A_218 = vector.broadcast %slice3A_217 : vector<1x128xf32> to vector<4608x128xf32>
    %add3A_219 = arith.addf %add3A_216, %add3A_218 : vector<4608x128xf32>
    %slice3A_220 = vector.extract_strided_slice %dot_general3A_213 {offsets = [0, 128], sizes = [4608, 128], strides = [1, 1]} : vector<4608x256xf32> to vector<4608x128xf32>
    %add3A_221 = vector.broadcast %get3A_6 : vector<4608x1xf32> to vector<4608x128xf32>
    %add3A_222 = arith.addf %add3A_221, %slice3A_220 : vector<4608x128xf32>
    %slice3A_223 = vector.extract_strided_slice %transpose3A_208 {offsets = [0, 128], sizes = [1, 128], strides = [1, 1]} : vector<1x256xf32> to vector<1x128xf32>
    %add3A_224 = vector.broadcast %slice3A_223 : vector<1x128xf32> to vector<4608x128xf32>
    %add3A_225 = arith.addf %add3A_222, %add3A_224 : vector<4608x128xf32>
    %add3A_226 = arith.constant 1.536000e+03 : f32
    %add3A_227 = vector.broadcast %add3A_226 : f32 to vector<4608x128xf32>
    %add3A_228 = arith.addf %convert_element_type3A_2, %add3A_227 : vector<4608x128xf32>
    %add3A_229 = arith.constant 1.664000e+03 : f32
    %add3A_230 = vector.broadcast %add3A_229 : f32 to vector<4608x128xf32>
    %add3A_231 = arith.addf %convert_element_type3A_2, %add3A_230 : vector<4608x128xf32>
    %lt3A_232 = arith.cmpf olt, %add3A_225, %add3A_219 : vector<4608x128xf32>
    %min3A_233 = arith.minimumf %add3A_219, %add3A_225 : vector<4608x128xf32>
    %select_n3A_234 = arith.select %lt3A_232, %add3A_231, %add3A_228 : vector<4608x128xi1>, vector<4608x128xf32>
    %get3A_235 = arith.constant 1792 : index
    %get3A_236 = arith.constant 0 : index
    %get3A_237 = vector.load %arg2[%get3A_235, %get3A_236] : memref<4096x256xf32, #tpu.memory_space<vmem>>, vector<256x256xf32>
    %square3A_238 = arith.mulf %get3A_237, %get3A_237 : vector<256x256xf32>
    %reduce_sum3A_239 = arith.constant dense<0.000000e+00> : vector<256xf32>
    %reduce_sum3A_240 = vector.multi_reduction <add>, %square3A_238, %reduce_sum3A_239 [1] : vector<256x256xf32> to vector<256xf32>
    %broadcast_in_dim3A_241 = vector.shape_cast %reduce_sum3A_240 : vector<256xf32> to vector<256x1xf32>
    %transpose3A_242 = tpu.transpose %broadcast_in_dim3A_241, [1, 0] : vector<256x1xf32> -> vector<1x256xf32>
    %get3A_243 = arith.constant 0 : index
    %get3A_244 = arith.constant 0 : index
    %get3A_245 = vector.load %arg6[%get3A_243, %get3A_244] : memref<4608x256xf32, #tpu.memory_space<vmem>>, vector<4608x256xf32>
    %dot_general3A_246 = arith.constant dense<0.000000e+00> : vector<4608x256xf32>
    %dot_general3A_247 = tpu.matmul %get3A_245, %get3A_237, %dot_general3A_246 {dimension_numbers = #tpu.dot_dimension_numbers<[1], [1], [0], [0], [0, 0, 1, 0], [], []>, transpose_lhs_hint = false} : vector<4608x256xf32>, vector<256x256xf32>, vector<4608x256xf32> -> vector<4608x256xf32>
    %slice3A_248 = vector.extract_strided_slice %dot_general3A_247 {offsets = [0, 0], sizes = [4608, 128], strides = [1, 1]} : vector<4608x256xf32> to vector<4608x128xf32>
    %add3A_249 = vector.broadcast %get3A_6 : vector<4608x1xf32> to vector<4608x128xf32>
    %add3A_250 = arith.addf %add3A_249, %slice3A_248 : vector<4608x128xf32>
    %slice3A_251 = vector.extract_strided_slice %transpose3A_242 {offsets = [0, 0], sizes = [1, 128], strides = [1, 1]} : vector<1x256xf32> to vector<1x128xf32>
    %add3A_252 = vector.broadcast %slice3A_251 : vector<1x128xf32> to vector<4608x128xf32>
    %add3A_253 = arith.addf %add3A_250, %add3A_252 : vector<4608x128xf32>
    %slice3A_254 = vector.extract_strided_slice %dot_general3A_247 {offsets = [0, 128], sizes = [4608, 128], strides = [1, 1]} : vector<4608x256xf32> to vector<4608x128xf32>
    %add3A_255 = vector.broadcast %get3A_6 : vector<4608x1xf32> to vector<4608x128xf32>
    %add3A_256 = arith.addf %add3A_255, %slice3A_254 : vector<4608x128xf32>
    %slice3A_257 = vector.extract_strided_slice %transpose3A_242 {offsets = [0, 128], sizes = [1, 128], strides = [1, 1]} : vector<1x256xf32> to vector<1x128xf32>
    %add3A_258 = vector.broadcast %slice3A_257 : vector<1x128xf32> to vector<4608x128xf32>
    %add3A_259 = arith.addf %add3A_256, %add3A_258 : vector<4608x128xf32>
    %add3A_260 = arith.constant 1.792000e+03 : f32
    %add3A_261 = vector.broadcast %add3A_260 : f32 to vector<4608x128xf32>
    %add3A_262 = arith.addf %convert_element_type3A_2, %add3A_261 : vector<4608x128xf32>
    %add3A_263 = arith.constant 1.920000e+03 : f32
    %add3A_264 = vector.broadcast %add3A_263 : f32 to vector<4608x128xf32>
    %add3A_265 = arith.addf %convert_element_type3A_2, %add3A_264 : vector<4608x128xf32>
    %lt3A_266 = arith.cmpf olt, %add3A_259, %add3A_253 : vector<4608x128xf32>
    %min3A_267 = arith.minimumf %add3A_253, %add3A_259 : vector<4608x128xf32>
    %select_n3A_268 = arith.select %lt3A_266, %add3A_265, %add3A_262 : vector<4608x128xi1>, vector<4608x128xf32>
    %get3A_269 = arith.constant 2048 : index
    %get3A_270 = arith.constant 0 : index
    %get3A_271 = vector.load %arg2[%get3A_269, %get3A_270] : memref<4096x256xf32, #tpu.memory_space<vmem>>, vector<256x256xf32>
    %square3A_272 = arith.mulf %get3A_271, %get3A_271 : vector<256x256xf32>
    %reduce_sum3A_273 = arith.constant dense<0.000000e+00> : vector<256xf32>
    %reduce_sum3A_274 = vector.multi_reduction <add>, %square3A_272, %reduce_sum3A_273 [1] : vector<256x256xf32> to vector<256xf32>
    %broadcast_in_dim3A_275 = vector.shape_cast %reduce_sum3A_274 : vector<256xf32> to vector<256x1xf32>
    %transpose3A_276 = tpu.transpose %broadcast_in_dim3A_275, [1, 0] : vector<256x1xf32> -> vector<1x256xf32>
    %get3A_277 = arith.constant 0 : index
    %get3A_278 = arith.constant 0 : index
    %get3A_279 = vector.load %arg6[%get3A_277, %get3A_278] : memref<4608x256xf32, #tpu.memory_space<vmem>>, vector<4608x256xf32>
    %dot_general3A_280 = arith.constant dense<0.000000e+00> : vector<4608x256xf32>
    %dot_general3A_281 = tpu.matmul %get3A_279, %get3A_271, %dot_general3A_280 {dimension_numbers = #tpu.dot_dimension_numbers<[1], [1], [0], [0], [0, 0, 1, 0], [], []>, transpose_lhs_hint = false} : vector<4608x256xf32>, vector<256x256xf32>, vector<4608x256xf32> -> vector<4608x256xf32>
    %slice3A_282 = vector.extract_strided_slice %dot_general3A_281 {offsets = [0, 0], sizes = [4608, 128], strides = [1, 1]} : vector<4608x256xf32> to vector<4608x128xf32>
    %add3A_283 = vector.broadcast %get3A_6 : vector<4608x1xf32> to vector<4608x128xf32>
    %add3A_284 = arith.addf %add3A_283, %slice3A_282 : vector<4608x128xf32>
    %slice3A_285 = vector.extract_strided_slice %transpose3A_276 {offsets = [0, 0], sizes = [1, 128], strides = [1, 1]} : vector<1x256xf32> to vector<1x128xf32>
    %add3A_286 = vector.broadcast %slice3A_285 : vector<1x128xf32> to vector<4608x128xf32>
    %add3A_287 = arith.addf %add3A_284, %add3A_286 : vector<4608x128xf32>
    %slice3A_288 = vector.extract_strided_slice %dot_general3A_281 {offsets = [0, 128], sizes = [4608, 128], strides = [1, 1]} : vector<4608x256xf32> to vector<4608x128xf32>
    %add3A_289 = vector.broadcast %get3A_6 : vector<4608x1xf32> to vector<4608x128xf32>
    %add3A_290 = arith.addf %add3A_289, %slice3A_288 : vector<4608x128xf32>
    %slice3A_291 = vector.extract_strided_slice %transpose3A_276 {offsets = [0, 128], sizes = [1, 128], strides = [1, 1]} : vector<1x256xf32> to vector<1x128xf32>
    %add3A_292 = vector.broadcast %slice3A_291 : vector<1x128xf32> to vector<4608x128xf32>
    %add3A_293 = arith.addf %add3A_290, %add3A_292 : vector<4608x128xf32>
    %add3A_294 = arith.constant 2.048000e+03 : f32
    %add3A_295 = vector.broadcast %add3A_294 : f32 to vector<4608x128xf32>
    %add3A_296 = arith.addf %convert_element_type3A_2, %add3A_295 : vector<4608x128xf32>
    %add3A_297 = arith.constant 2.176000e+03 : f32
    %add3A_298 = vector.broadcast %add3A_297 : f32 to vector<4608x128xf32>
    %add3A_299 = arith.addf %convert_element_type3A_2, %add3A_298 : vector<4608x128xf32>
    %lt3A_300 = arith.cmpf olt, %add3A_293, %add3A_287 : vector<4608x128xf32>
    %min3A_301 = arith.minimumf %add3A_287, %add3A_293 : vector<4608x128xf32>
    %select_n3A_302 = arith.select %lt3A_300, %add3A_299, %add3A_296 : vector<4608x128xi1>, vector<4608x128xf32>
    %get3A_303 = arith.constant 2304 : index
    %get3A_304 = arith.constant 0 : index
    %get3A_305 = vector.load %arg2[%get3A_303, %get3A_304] : memref<4096x256xf32, #tpu.memory_space<vmem>>, vector<256x256xf32>
    %square3A_306 = arith.mulf %get3A_305, %get3A_305 : vector<256x256xf32>
    %reduce_sum3A_307 = arith.constant dense<0.000000e+00> : vector<256xf32>
    %reduce_sum3A_308 = vector.multi_reduction <add>, %square3A_306, %reduce_sum3A_307 [1] : vector<256x256xf32> to vector<256xf32>
    %broadcast_in_dim3A_309 = vector.shape_cast %reduce_sum3A_308 : vector<256xf32> to vector<256x1xf32>
    %transpose3A_310 = tpu.transpose %broadcast_in_dim3A_309, [1, 0] : vector<256x1xf32> -> vector<1x256xf32>
    %get3A_311 = arith.constant 0 : index
    %get3A_312 = arith.constant 0 : index
    %get3A_313 = vector.load %arg6[%get3A_311, %get3A_312] : memref<4608x256xf32, #tpu.memory_space<vmem>>, vector<4608x256xf32>
    %dot_general3A_314 = arith.constant dense<0.000000e+00> : vector<4608x256xf32>
    %dot_general3A_315 = tpu.matmul %get3A_313, %get3A_305, %dot_general3A_314 {dimension_numbers = #tpu.dot_dimension_numbers<[1], [1], [0], [0], [0, 0, 1, 0], [], []>, transpose_lhs_hint = false} : vector<4608x256xf32>, vector<256x256xf32>, vector<4608x256xf32> -> vector<4608x256xf32>
    %slice3A_316 = vector.extract_strided_slice %dot_general3A_315 {offsets = [0, 0], sizes = [4608, 128], strides = [1, 1]} : vector<4608x256xf32> to vector<4608x128xf32>
    %add3A_317 = vector.broadcast %get3A_6 : vector<4608x1xf32> to vector<4608x128xf32>
    %add3A_318 = arith.addf %add3A_317, %slice3A_316 : vector<4608x128xf32>
    %slice3A_319 = vector.extract_strided_slice %transpose3A_310 {offsets = [0, 0], sizes = [1, 128], strides = [1, 1]} : vector<1x256xf32> to vector<1x128xf32>
    %add3A_320 = vector.broadcast %slice3A_319 : vector<1x128xf32> to vector<4608x128xf32>
    %add3A_321 = arith.addf %add3A_318, %add3A_320 : vector<4608x128xf32>
    %slice3A_322 = vector.extract_strided_slice %dot_general3A_315 {offsets = [0, 128], sizes = [4608, 128], strides = [1, 1]} : vector<4608x256xf32> to vector<4608x128xf32>
    %add3A_323 = vector.broadcast %get3A_6 : vector<4608x1xf32> to vector<4608x128xf32>
    %add3A_324 = arith.addf %add3A_323, %slice3A_322 : vector<4608x128xf32>
    %slice3A_325 = vector.extract_strided_slice %transpose3A_310 {offsets = [0, 128], sizes = [1, 128], strides = [1, 1]} : vector<1x256xf32> to vector<1x128xf32>
    %add3A_326 = vector.broadcast %slice3A_325 : vector<1x128xf32> to vector<4608x128xf32>
    %add3A_327 = arith.addf %add3A_324, %add3A_326 : vector<4608x128xf32>
    %add3A_328 = arith.constant 2.304000e+03 : f32
    %add3A_329 = vector.broadcast %add3A_328 : f32 to vector<4608x128xf32>
    %add3A_330 = arith.addf %convert_element_type3A_2, %add3A_329 : vector<4608x128xf32>
    %add3A_331 = arith.constant 2.432000e+03 : f32
    %add3A_332 = vector.broadcast %add3A_331 : f32 to vector<4608x128xf32>
    %add3A_333 = arith.addf %convert_element_type3A_2, %add3A_332 : vector<4608x128xf32>
    %lt3A_334 = arith.cmpf olt, %add3A_327, %add3A_321 : vector<4608x128xf32>
    %min3A_335 = arith.minimumf %add3A_321, %add3A_327 : vector<4608x128xf32>
    %select_n3A_336 = arith.select %lt3A_334, %add3A_333, %add3A_330 : vector<4608x128xi1>, vector<4608x128xf32>
    %get3A_337 = arith.constant 2560 : index
    %get3A_338 = arith.constant 0 : index
    %get3A_339 = vector.load %arg2[%get3A_337, %get3A_338] : memref<4096x256xf32, #tpu.memory_space<vmem>>, vector<256x256xf32>
    %square3A_340 = arith.mulf %get3A_339, %get3A_339 : vector<256x256xf32>
    %reduce_sum3A_341 = arith.constant dense<0.000000e+00> : vector<256xf32>
    %reduce_sum3A_342 = vector.multi_reduction <add>, %square3A_340, %reduce_sum3A_341 [1] : vector<256x256xf32> to vector<256xf32>
    %broadcast_in_dim3A_343 = vector.shape_cast %reduce_sum3A_342 : vector<256xf32> to vector<256x1xf32>
    %transpose3A_344 = tpu.transpose %broadcast_in_dim3A_343, [1, 0] : vector<256x1xf32> -> vector<1x256xf32>
    %get3A_345 = arith.constant 0 : index
    %get3A_346 = arith.constant 0 : index
    %get3A_347 = vector.load %arg6[%get3A_345, %get3A_346] : memref<4608x256xf32, #tpu.memory_space<vmem>>, vector<4608x256xf32>
    %dot_general3A_348 = arith.constant dense<0.000000e+00> : vector<4608x256xf32>
    %dot_general3A_349 = tpu.matmul %get3A_347, %get3A_339, %dot_general3A_348 {dimension_numbers = #tpu.dot_dimension_numbers<[1], [1], [0], [0], [0, 0, 1, 0], [], []>, transpose_lhs_hint = false} : vector<4608x256xf32>, vector<256x256xf32>, vector<4608x256xf32> -> vector<4608x256xf32>
    %slice3A_350 = vector.extract_strided_slice %dot_general3A_349 {offsets = [0, 0], sizes = [4608, 128], strides = [1, 1]} : vector<4608x256xf32> to vector<4608x128xf32>
    %add3A_351 = vector.broadcast %get3A_6 : vector<4608x1xf32> to vector<4608x128xf32>
    %add3A_352 = arith.addf %add3A_351, %slice3A_350 : vector<4608x128xf32>
    %slice3A_353 = vector.extract_strided_slice %transpose3A_344 {offsets = [0, 0], sizes = [1, 128], strides = [1, 1]} : vector<1x256xf32> to vector<1x128xf32>
    %add3A_354 = vector.broadcast %slice3A_353 : vector<1x128xf32> to vector<4608x128xf32>
    %add3A_355 = arith.addf %add3A_352, %add3A_354 : vector<4608x128xf32>
    %slice3A_356 = vector.extract_strided_slice %dot_general3A_349 {offsets = [0, 128], sizes = [4608, 128], strides = [1, 1]} : vector<4608x256xf32> to vector<4608x128xf32>
    %add3A_357 = vector.broadcast %get3A_6 : vector<4608x1xf32> to vector<4608x128xf32>
    %add3A_358 = arith.addf %add3A_357, %slice3A_356 : vector<4608x128xf32>
    %slice3A_359 = vector.extract_strided_slice %transpose3A_344 {offsets = [0, 128], sizes = [1, 128], strides = [1, 1]} : vector<1x256xf32> to vector<1x128xf32>
    %add3A_360 = vector.broadcast %slice3A_359 : vector<1x128xf32> to vector<4608x128xf32>
    %add3A_361 = arith.addf %add3A_358, %add3A_360 : vector<4608x128xf32>
    %add3A_362 = arith.constant 2.560000e+03 : f32
    %add3A_363 = vector.broadcast %add3A_362 : f32 to vector<4608x128xf32>
    %add3A_364 = arith.addf %convert_element_type3A_2, %add3A_363 : vector<4608x128xf32>
    %add3A_365 = arith.constant 2.688000e+03 : f32
    %add3A_366 = vector.broadcast %add3A_365 : f32 to vector<4608x128xf32>
    %add3A_367 = arith.addf %convert_element_type3A_2, %add3A_366 : vector<4608x128xf32>
    %lt3A_368 = arith.cmpf olt, %add3A_361, %add3A_355 : vector<4608x128xf32>
    %min3A_369 = arith.minimumf %add3A_355, %add3A_361 : vector<4608x128xf32>
    %select_n3A_370 = arith.select %lt3A_368, %add3A_367, %add3A_364 : vector<4608x128xi1>, vector<4608x128xf32>
    %get3A_371 = arith.constant 2816 : index
    %get3A_372 = arith.constant 0 : index
    %get3A_373 = vector.load %arg2[%get3A_371, %get3A_372] : memref<4096x256xf32, #tpu.memory_space<vmem>>, vector<256x256xf32>
    %square3A_374 = arith.mulf %get3A_373, %get3A_373 : vector<256x256xf32>
    %reduce_sum3A_375 = arith.constant dense<0.000000e+00> : vector<256xf32>
    %reduce_sum3A_376 = vector.multi_reduction <add>, %square3A_374, %reduce_sum3A_375 [1] : vector<256x256xf32> to vector<256xf32>
    %broadcast_in_dim3A_377 = vector.shape_cast %reduce_sum3A_376 : vector<256xf32> to vector<256x1xf32>
    %transpose3A_378 = tpu.transpose %broadcast_in_dim3A_377, [1, 0] : vector<256x1xf32> -> vector<1x256xf32>
    %get3A_379 = arith.constant 0 : index
    %get3A_380 = arith.constant 0 : index
    %get3A_381 = vector.load %arg6[%get3A_379, %get3A_380] : memref<4608x256xf32, #tpu.memory_space<vmem>>, vector<4608x256xf32>
    %dot_general3A_382 = arith.constant dense<0.000000e+00> : vector<4608x256xf32>
    %dot_general3A_383 = tpu.matmul %get3A_381, %get3A_373, %dot_general3A_382 {dimension_numbers = #tpu.dot_dimension_numbers<[1], [1], [0], [0], [0, 0, 1, 0], [], []>, transpose_lhs_hint = false} : vector<4608x256xf32>, vector<256x256xf32>, vector<4608x256xf32> -> vector<4608x256xf32>
    %slice3A_384 = vector.extract_strided_slice %dot_general3A_383 {offsets = [0, 0], sizes = [4608, 128], strides = [1, 1]} : vector<4608x256xf32> to vector<4608x128xf32>
    %add3A_385 = vector.broadcast %get3A_6 : vector<4608x1xf32> to vector<4608x128xf32>
    %add3A_386 = arith.addf %add3A_385, %slice3A_384 : vector<4608x128xf32>
    %slice3A_387 = vector.extract_strided_slice %transpose3A_378 {offsets = [0, 0], sizes = [1, 128], strides = [1, 1]} : vector<1x256xf32> to vector<1x128xf32>
    %add3A_388 = vector.broadcast %slice3A_387 : vector<1x128xf32> to vector<4608x128xf32>
    %add3A_389 = arith.addf %add3A_386, %add3A_388 : vector<4608x128xf32>
    %slice3A_390 = vector.extract_strided_slice %dot_general3A_383 {offsets = [0, 128], sizes = [4608, 128], strides = [1, 1]} : vector<4608x256xf32> to vector<4608x128xf32>
    %add3A_391 = vector.broadcast %get3A_6 : vector<4608x1xf32> to vector<4608x128xf32>
    %add3A_392 = arith.addf %add3A_391, %slice3A_390 : vector<4608x128xf32>
    %slice3A_393 = vector.extract_strided_slice %transpose3A_378 {offsets = [0, 128], sizes = [1, 128], strides = [1, 1]} : vector<1x256xf32> to vector<1x128xf32>
    %add3A_394 = vector.broadcast %slice3A_393 : vector<1x128xf32> to vector<4608x128xf32>
    %add3A_395 = arith.addf %add3A_392, %add3A_394 : vector<4608x128xf32>
    %add3A_396 = arith.constant 2.816000e+03 : f32
    %add3A_397 = vector.broadcast %add3A_396 : f32 to vector<4608x128xf32>
    %add3A_398 = arith.addf %convert_element_type3A_2, %add3A_397 : vector<4608x128xf32>
    %add3A_399 = arith.constant 2.944000e+03 : f32
    %add3A_400 = vector.broadcast %add3A_399 : f32 to vector<4608x128xf32>
    %add3A_401 = arith.addf %convert_element_type3A_2, %add3A_400 : vector<4608x128xf32>
    %lt3A_402 = arith.cmpf olt, %add3A_395, %add3A_389 : vector<4608x128xf32>
    %min3A_403 = arith.minimumf %add3A_389, %add3A_395 : vector<4608x128xf32>
    %select_n3A_404 = arith.select %lt3A_402, %add3A_401, %add3A_398 : vector<4608x128xi1>, vector<4608x128xf32>
    %get3A_405 = arith.constant 3072 : index
    %get3A_406 = arith.constant 0 : index
    %get3A_407 = vector.load %arg2[%get3A_405, %get3A_406] : memref<4096x256xf32, #tpu.memory_space<vmem>>, vector<256x256xf32>
    %square3A_408 = arith.mulf %get3A_407, %get3A_407 : vector<256x256xf32>
    %reduce_sum3A_409 = arith.constant dense<0.000000e+00> : vector<256xf32>
    %reduce_sum3A_410 = vector.multi_reduction <add>, %square3A_408, %reduce_sum3A_409 [1] : vector<256x256xf32> to vector<256xf32>
    %broadcast_in_dim3A_411 = vector.shape_cast %reduce_sum3A_410 : vector<256xf32> to vector<256x1xf32>
    %transpose3A_412 = tpu.transpose %broadcast_in_dim3A_411, [1, 0] : vector<256x1xf32> -> vector<1x256xf32>
    %get3A_413 = arith.constant 0 : index
    %get3A_414 = arith.constant 0 : index
    %get3A_415 = vector.load %arg6[%get3A_413, %get3A_414] : memref<4608x256xf32, #tpu.memory_space<vmem>>, vector<4608x256xf32>
    %dot_general3A_416 = arith.constant dense<0.000000e+00> : vector<4608x256xf32>
    %dot_general3A_417 = tpu.matmul %get3A_415, %get3A_407, %dot_general3A_416 {dimension_numbers = #tpu.dot_dimension_numbers<[1], [1], [0], [0], [0, 0, 1, 0], [], []>, transpose_lhs_hint = false} : vector<4608x256xf32>, vector<256x256xf32>, vector<4608x256xf32> -> vector<4608x256xf32>
    %slice3A_418 = vector.extract_strided_slice %dot_general3A_417 {offsets = [0, 0], sizes = [4608, 128], strides = [1, 1]} : vector<4608x256xf32> to vector<4608x128xf32>
    %add3A_419 = vector.broadcast %get3A_6 : vector<4608x1xf32> to vector<4608x128xf32>
    %add3A_420 = arith.addf %add3A_419, %slice3A_418 : vector<4608x128xf32>
    %slice3A_421 = vector.extract_strided_slice %transpose3A_412 {offsets = [0, 0], sizes = [1, 128], strides = [1, 1]} : vector<1x256xf32> to vector<1x128xf32>
    %add3A_422 = vector.broadcast %slice3A_421 : vector<1x128xf32> to vector<4608x128xf32>
    %add3A_423 = arith.addf %add3A_420, %add3A_422 : vector<4608x128xf32>
    %slice3A_424 = vector.extract_strided_slice %dot_general3A_417 {offsets = [0, 128], sizes = [4608, 128], strides = [1, 1]} : vector<4608x256xf32> to vector<4608x128xf32>
    %add3A_425 = vector.broadcast %get3A_6 : vector<4608x1xf32> to vector<4608x128xf32>
    %add3A_426 = arith.addf %add3A_425, %slice3A_424 : vector<4608x128xf32>
    %slice3A_427 = vector.extract_strided_slice %transpose3A_412 {offsets = [0, 128], sizes = [1, 128], strides = [1, 1]} : vector<1x256xf32> to vector<1x128xf32>
    %add3A_428 = vector.broadcast %slice3A_427 : vector<1x128xf32> to vector<4608x128xf32>
    %add3A_429 = arith.addf %add3A_426, %add3A_428 : vector<4608x128xf32>
    %add3A_430 = arith.constant 3.072000e+03 : f32
    %add3A_431 = vector.broadcast %add3A_430 : f32 to vector<4608x128xf32>
    %add3A_432 = arith.addf %convert_element_type3A_2, %add3A_431 : vector<4608x128xf32>
    %add3A_433 = arith.constant 3.200000e+03 : f32
    %add3A_434 = vector.broadcast %add3A_433 : f32 to vector<4608x128xf32>
    %add3A_435 = arith.addf %convert_element_type3A_2, %add3A_434 : vector<4608x128xf32>
    %lt3A_436 = arith.cmpf olt, %add3A_429, %add3A_423 : vector<4608x128xf32>
    %min3A_437 = arith.minimumf %add3A_423, %add3A_429 : vector<4608x128xf32>
    %select_n3A_438 = arith.select %lt3A_436, %add3A_435, %add3A_432 : vector<4608x128xi1>, vector<4608x128xf32>
    %get3A_439 = arith.constant 3328 : index
    %get3A_440 = arith.constant 0 : index
    %get3A_441 = vector.load %arg2[%get3A_439, %get3A_440] : memref<4096x256xf32, #tpu.memory_space<vmem>>, vector<256x256xf32>
    %square3A_442 = arith.mulf %get3A_441, %get3A_441 : vector<256x256xf32>
    %reduce_sum3A_443 = arith.constant dense<0.000000e+00> : vector<256xf32>
    %reduce_sum3A_444 = vector.multi_reduction <add>, %square3A_442, %reduce_sum3A_443 [1] : vector<256x256xf32> to vector<256xf32>
    %broadcast_in_dim3A_445 = vector.shape_cast %reduce_sum3A_444 : vector<256xf32> to vector<256x1xf32>
    %transpose3A_446 = tpu.transpose %broadcast_in_dim3A_445, [1, 0] : vector<256x1xf32> -> vector<1x256xf32>
    %get3A_447 = arith.constant 0 : index
    %get3A_448 = arith.constant 0 : index
    %get3A_449 = vector.load %arg6[%get3A_447, %get3A_448] : memref<4608x256xf32, #tpu.memory_space<vmem>>, vector<4608x256xf32>
    %dot_general3A_450 = arith.constant dense<0.000000e+00> : vector<4608x256xf32>
    %dot_general3A_451 = tpu.matmul %get3A_449, %get3A_441, %dot_general3A_450 {dimension_numbers = #tpu.dot_dimension_numbers<[1], [1], [0], [0], [0, 0, 1, 0], [], []>, transpose_lhs_hint = false} : vector<4608x256xf32>, vector<256x256xf32>, vector<4608x256xf32> -> vector<4608x256xf32>
    %slice3A_452 = vector.extract_strided_slice %dot_general3A_451 {offsets = [0, 0], sizes = [4608, 128], strides = [1, 1]} : vector<4608x256xf32> to vector<4608x128xf32>
    %add3A_453 = vector.broadcast %get3A_6 : vector<4608x1xf32> to vector<4608x128xf32>
    %add3A_454 = arith.addf %add3A_453, %slice3A_452 : vector<4608x128xf32>
    %slice3A_455 = vector.extract_strided_slice %transpose3A_446 {offsets = [0, 0], sizes = [1, 128], strides = [1, 1]} : vector<1x256xf32> to vector<1x128xf32>
    %add3A_456 = vector.broadcast %slice3A_455 : vector<1x128xf32> to vector<4608x128xf32>
    %add3A_457 = arith.addf %add3A_454, %add3A_456 : vector<4608x128xf32>
    %slice3A_458 = vector.extract_strided_slice %dot_general3A_451 {offsets = [0, 128], sizes = [4608, 128], strides = [1, 1]} : vector<4608x256xf32> to vector<4608x128xf32>
    %add3A_459 = vector.broadcast %get3A_6 : vector<4608x1xf32> to vector<4608x128xf32>
    %add3A_460 = arith.addf %add3A_459, %slice3A_458 : vector<4608x128xf32>
    %slice3A_461 = vector.extract_strided_slice %transpose3A_446 {offsets = [0, 128], sizes = [1, 128], strides = [1, 1]} : vector<1x256xf32> to vector<1x128xf32>
    %add3A_462 = vector.broadcast %slice3A_461 : vector<1x128xf32> to vector<4608x128xf32>
    %add3A_463 = arith.addf %add3A_460, %add3A_462 : vector<4608x128xf32>
    %add3A_464 = arith.constant 3.328000e+03 : f32
    %add3A_465 = vector.broadcast %add3A_464 : f32 to vector<4608x128xf32>
    %add3A_466 = arith.addf %convert_element_type3A_2, %add3A_465 : vector<4608x128xf32>
    %add3A_467 = arith.constant 3.456000e+03 : f32
    %add3A_468 = vector.broadcast %add3A_467 : f32 to vector<4608x128xf32>
    %add3A_469 = arith.addf %convert_element_type3A_2, %add3A_468 : vector<4608x128xf32>
    %lt3A_470 = arith.cmpf olt, %add3A_463, %add3A_457 : vector<4608x128xf32>
    %min3A_471 = arith.minimumf %add3A_457, %add3A_463 : vector<4608x128xf32>
    %select_n3A_472 = arith.select %lt3A_470, %add3A_469, %add3A_466 : vector<4608x128xi1>, vector<4608x128xf32>
    %get3A_473 = arith.constant 3584 : index
    %get3A_474 = arith.constant 0 : index
    %get3A_475 = vector.load %arg2[%get3A_473, %get3A_474] : memref<4096x256xf32, #tpu.memory_space<vmem>>, vector<256x256xf32>
    %square3A_476 = arith.mulf %get3A_475, %get3A_475 : vector<256x256xf32>
    %reduce_sum3A_477 = arith.constant dense<0.000000e+00> : vector<256xf32>
    %reduce_sum3A_478 = vector.multi_reduction <add>, %square3A_476, %reduce_sum3A_477 [1] : vector<256x256xf32> to vector<256xf32>
    %broadcast_in_dim3A_479 = vector.shape_cast %reduce_sum3A_478 : vector<256xf32> to vector<256x1xf32>
    %transpose3A_480 = tpu.transpose %broadcast_in_dim3A_479, [1, 0] : vector<256x1xf32> -> vector<1x256xf32>
    %get3A_481 = arith.constant 0 : index
    %get3A_482 = arith.constant 0 : index
    %get3A_483 = vector.load %arg6[%get3A_481, %get3A_482] : memref<4608x256xf32, #tpu.memory_space<vmem>>, vector<4608x256xf32>
    %dot_general3A_484 = arith.constant dense<0.000000e+00> : vector<4608x256xf32>
    %dot_general3A_485 = tpu.matmul %get3A_483, %get3A_475, %dot_general3A_484 {dimension_numbers = #tpu.dot_dimension_numbers<[1], [1], [0], [0], [0, 0, 1, 0], [], []>, transpose_lhs_hint = false} : vector<4608x256xf32>, vector<256x256xf32>, vector<4608x256xf32> -> vector<4608x256xf32>
    %slice3A_486 = vector.extract_strided_slice %dot_general3A_485 {offsets = [0, 0], sizes = [4608, 128], strides = [1, 1]} : vector<4608x256xf32> to vector<4608x128xf32>
    %add3A_487 = vector.broadcast %get3A_6 : vector<4608x1xf32> to vector<4608x128xf32>
    %add3A_488 = arith.addf %add3A_487, %slice3A_486 : vector<4608x128xf32>
    %slice3A_489 = vector.extract_strided_slice %transpose3A_480 {offsets = [0, 0], sizes = [1, 128], strides = [1, 1]} : vector<1x256xf32> to vector<1x128xf32>
    %add3A_490 = vector.broadcast %slice3A_489 : vector<1x128xf32> to vector<4608x128xf32>
    %add3A_491 = arith.addf %add3A_488, %add3A_490 : vector<4608x128xf32>
    %slice3A_492 = vector.extract_strided_slice %dot_general3A_485 {offsets = [0, 128], sizes = [4608, 128], strides = [1, 1]} : vector<4608x256xf32> to vector<4608x128xf32>
    %add3A_493 = vector.broadcast %get3A_6 : vector<4608x1xf32> to vector<4608x128xf32>
    %add3A_494 = arith.addf %add3A_493, %slice3A_492 : vector<4608x128xf32>
    %slice3A_495 = vector.extract_strided_slice %transpose3A_480 {offsets = [0, 128], sizes = [1, 128], strides = [1, 1]} : vector<1x256xf32> to vector<1x128xf32>
    %add3A_496 = vector.broadcast %slice3A_495 : vector<1x128xf32> to vector<4608x128xf32>
    %add3A_497 = arith.addf %add3A_494, %add3A_496 : vector<4608x128xf32>
    %add3A_498 = arith.constant 3.584000e+03 : f32
    %add3A_499 = vector.broadcast %add3A_498 : f32 to vector<4608x128xf32>
    %add3A_500 = arith.addf %convert_element_type3A_2, %add3A_499 : vector<4608x128xf32>
    %add3A_501 = arith.constant 3.712000e+03 : f32
    %add3A_502 = vector.broadcast %add3A_501 : f32 to vector<4608x128xf32>
    %add3A_503 = arith.addf %convert_element_type3A_2, %add3A_502 : vector<4608x128xf32>
    %lt3A_504 = arith.cmpf olt, %add3A_497, %add3A_491 : vector<4608x128xf32>
    %min3A_505 = arith.minimumf %add3A_491, %add3A_497 : vector<4608x128xf32>
    %select_n3A_506 = arith.select %lt3A_504, %add3A_503, %add3A_500 : vector<4608x128xi1>, vector<4608x128xf32>
    %get3A_507 = arith.constant 3840 : index
    %get3A_508 = arith.constant 0 : index
    %get3A_509 = vector.load %arg2[%get3A_507, %get3A_508] : memref<4096x256xf32, #tpu.memory_space<vmem>>, vector<256x256xf32>
    %square3A_510 = arith.mulf %get3A_509, %get3A_509 : vector<256x256xf32>
    %reduce_sum3A_511 = arith.constant dense<0.000000e+00> : vector<256xf32>
    %reduce_sum3A_512 = vector.multi_reduction <add>, %square3A_510, %reduce_sum3A_511 [1] : vector<256x256xf32> to vector<256xf32>
    %broadcast_in_dim3A_513 = vector.shape_cast %reduce_sum3A_512 : vector<256xf32> to vector<256x1xf32>
    %transpose3A_514 = tpu.transpose %broadcast_in_dim3A_513, [1, 0] : vector<256x1xf32> -> vector<1x256xf32>
    %get3A_515 = arith.constant 0 : index
    %get3A_516 = arith.constant 0 : index
    %get3A_517 = vector.load %arg6[%get3A_515, %get3A_516] : memref<4608x256xf32, #tpu.memory_space<vmem>>, vector<4608x256xf32>
    %dot_general3A_518 = arith.constant dense<0.000000e+00> : vector<4608x256xf32>
    %dot_general3A_519 = tpu.matmul %get3A_517, %get3A_509, %dot_general3A_518 {dimension_numbers = #tpu.dot_dimension_numbers<[1], [1], [0], [0], [0, 0, 1, 0], [], []>, transpose_lhs_hint = false} : vector<4608x256xf32>, vector<256x256xf32>, vector<4608x256xf32> -> vector<4608x256xf32>
    %slice3A_520 = vector.extract_strided_slice %dot_general3A_519 {offsets = [0, 0], sizes = [4608, 128], strides = [1, 1]} : vector<4608x256xf32> to vector<4608x128xf32>
    %add3A_521 = vector.broadcast %get3A_6 : vector<4608x1xf32> to vector<4608x128xf32>
    %add3A_522 = arith.addf %add3A_521, %slice3A_520 : vector<4608x128xf32>
    %slice3A_523 = vector.extract_strided_slice %transpose3A_514 {offsets = [0, 0], sizes = [1, 128], strides = [1, 1]} : vector<1x256xf32> to vector<1x128xf32>
    %add3A_524 = vector.broadcast %slice3A_523 : vector<1x128xf32> to vector<4608x128xf32>
    %add3A_525 = arith.addf %add3A_522, %add3A_524 : vector<4608x128xf32>
    %slice3A_526 = vector.extract_strided_slice %dot_general3A_519 {offsets = [0, 128], sizes = [4608, 128], strides = [1, 1]} : vector<4608x256xf32> to vector<4608x128xf32>
    %add3A_527 = vector.broadcast %get3A_6 : vector<4608x1xf32> to vector<4608x128xf32>
    %add3A_528 = arith.addf %add3A_527, %slice3A_526 : vector<4608x128xf32>
    %slice3A_529 = vector.extract_strided_slice %transpose3A_514 {offsets = [0, 128], sizes = [1, 128], strides = [1, 1]} : vector<1x256xf32> to vector<1x128xf32>
    %add3A_530 = vector.broadcast %slice3A_529 : vector<1x128xf32> to vector<4608x128xf32>
    %add3A_531 = arith.addf %add3A_528, %add3A_530 : vector<4608x128xf32>
    %add3A_532 = arith.constant 3.840000e+03 : f32
    %add3A_533 = vector.broadcast %add3A_532 : f32 to vector<4608x128xf32>
    %add3A_534 = arith.addf %convert_element_type3A_2, %add3A_533 : vector<4608x128xf32>
    %add3A_535 = arith.constant 3.968000e+03 : f32
    %add3A_536 = vector.broadcast %add3A_535 : f32 to vector<4608x128xf32>
    %add3A_537 = arith.addf %convert_element_type3A_2, %add3A_536 : vector<4608x128xf32>
    %lt3A_538 = arith.cmpf olt, %add3A_531, %add3A_525 : vector<4608x128xf32>
    %min3A_539 = arith.minimumf %add3A_525, %add3A_531 : vector<4608x128xf32>
    %select_n3A_540 = arith.select %lt3A_538, %add3A_537, %add3A_534 : vector<4608x128xi1>, vector<4608x128xf32>
    %lt3A_541 = arith.cmpf olt, %min3A_63, %min3A : vector<4608x128xf32>
    %min3A_542 = arith.minimumf %min3A, %min3A_63 : vector<4608x128xf32>
    %select_n3A_543 = arith.select %lt3A_541, %select_n3A_64, %select_n3A : vector<4608x128xi1>, vector<4608x128xf32>
    %lt3A_544 = arith.cmpf olt, %min3A_131, %min3A_97 : vector<4608x128xf32>
    %min3A_545 = arith.minimumf %min3A_97, %min3A_131 : vector<4608x128xf32>
    %select_n3A_546 = arith.select %lt3A_544, %select_n3A_132, %select_n3A_98 : vector<4608x128xi1>, vector<4608x128xf32>
    %lt3A_547 = arith.cmpf olt, %min3A_199, %min3A_165 : vector<4608x128xf32>
    %min3A_548 = arith.minimumf %min3A_165, %min3A_199 : vector<4608x128xf32>
    %select_n3A_549 = arith.select %lt3A_547, %select_n3A_200, %select_n3A_166 : vector<4608x128xi1>, vector<4608x128xf32>
    %lt3A_550 = arith.cmpf olt, %min3A_267, %min3A_233 : vector<4608x128xf32>
    %min3A_551 = arith.minimumf %min3A_233, %min3A_267 : vector<4608x128xf32>
    %select_n3A_552 = arith.select %lt3A_550, %select_n3A_268, %select_n3A_234 : vector<4608x128xi1>, vector<4608x128xf32>
    %lt3A_553 = arith.cmpf olt, %min3A_335, %min3A_301 : vector<4608x128xf32>
    %min3A_554 = arith.minimumf %min3A_301, %min3A_335 : vector<4608x128xf32>
    %select_n3A_555 = arith.select %lt3A_553, %select_n3A_336, %select_n3A_302 : vector<4608x128xi1>, vector<4608x128xf32>
    %lt3A_556 = arith.cmpf olt, %min3A_403, %min3A_369 : vector<4608x128xf32>
    %min3A_557 = arith.minimumf %min3A_369, %min3A_403 : vector<4608x128xf32>
    %select_n3A_558 = arith.select %lt3A_556, %select_n3A_404, %select_n3A_370 : vector<4608x128xi1>, vector<4608x128xf32>
    %lt3A_559 = arith.cmpf olt, %min3A_471, %min3A_437 : vector<4608x128xf32>
    %min3A_560 = arith.minimumf %min3A_437, %min3A_471 : vector<4608x128xf32>
    %select_n3A_561 = arith.select %lt3A_559, %select_n3A_472, %select_n3A_438 : vector<4608x128xi1>, vector<4608x128xf32>
    %lt3A_562 = arith.cmpf olt, %min3A_539, %min3A_505 : vector<4608x128xf32>
    %min3A_563 = arith.minimumf %min3A_505, %min3A_539 : vector<4608x128xf32>
    %select_n3A_564 = arith.select %lt3A_562, %select_n3A_540, %select_n3A_506 : vector<4608x128xi1>, vector<4608x128xf32>
    %lt3A_565 = arith.cmpf olt, %min3A_545, %min3A_542 : vector<4608x128xf32>
    %min3A_566 = arith.minimumf %min3A_542, %min3A_545 : vector<4608x128xf32>
    %select_n3A_567 = arith.select %lt3A_565, %select_n3A_546, %select_n3A_543 : vector<4608x128xi1>, vector<4608x128xf32>
    %lt3A_568 = arith.cmpf olt, %min3A_551, %min3A_548 : vector<4608x128xf32>
    %min3A_569 = arith.minimumf %min3A_548, %min3A_551 : vector<4608x128xf32>
    %select_n3A_570 = arith.select %lt3A_568, %select_n3A_552, %select_n3A_549 : vector<4608x128xi1>, vector<4608x128xf32>
    %lt3A_571 = arith.cmpf olt, %min3A_557, %min3A_554 : vector<4608x128xf32>
    %min3A_572 = arith.minimumf %min3A_554, %min3A_557 : vector<4608x128xf32>
    %select_n3A_573 = arith.select %lt3A_571, %select_n3A_558, %select_n3A_555 : vector<4608x128xi1>, vector<4608x128xf32>
    %lt3A_574 = arith.cmpf olt, %min3A_563, %min3A_560 : vector<4608x128xf32>
    %min3A_575 = arith.minimumf %min3A_560, %min3A_563 : vector<4608x128xf32>
    %select_n3A_576 = arith.select %lt3A_574, %select_n3A_564, %select_n3A_561 : vector<4608x128xi1>, vector<4608x128xf32>
    %lt3A_577 = arith.cmpf olt, %min3A_569, %min3A_566 : vector<4608x128xf32>
    %min3A_578 = arith.minimumf %min3A_566, %min3A_569 : vector<4608x128xf32>
    %select_n3A_579 = arith.select %lt3A_577, %select_n3A_570, %select_n3A_567 : vector<4608x128xi1>, vector<4608x128xf32>
    %lt3A_580 = arith.cmpf olt, %min3A_575, %min3A_572 : vector<4608x128xf32>
    %min3A_581 = arith.minimumf %min3A_572, %min3A_575 : vector<4608x128xf32>
    %select_n3A_582 = arith.select %lt3A_580, %select_n3A_576, %select_n3A_573 : vector<4608x128xi1>, vector<4608x128xf32>
    %lt3A_583 = arith.cmpf olt, %min3A_581, %min3A_578 : vector<4608x128xf32>
    %min3A_584 = arith.minimumf %min3A_578, %min3A_581 : vector<4608x128xf32>
    %select_n3A_585 = arith.select %lt3A_583, %select_n3A_582, %select_n3A_579 : vector<4608x128xi1>, vector<4608x128xf32>
    %get3A_586 = arith.constant 0 : index
    %get3A_587 = arith.constant 0 : index
    %get3A_588 = vector.load %arg4[%get3A_586, %get3A_587] : memref<4608x128xf32, #tpu.memory_space<vmem>>, vector<4608x128xf32>
    %lt3A_589 = arith.cmpf olt, %min3A_584, %get3A_588 : vector<4608x128xf32>
    %min3A_590 = arith.minimumf %min3A_584, %get3A_588 : vector<4608x128xf32>
    %swap3A = arith.constant 0 : index
    %swap3A_591 = arith.constant 0 : index
    %swap3A_592 = vector.load %arg4[%swap3A, %swap3A_591] : memref<4608x128xf32, #tpu.memory_space<vmem>>, vector<4608x128xf32>
    tpu.vector_store %arg4[%swap3A, %swap3A_591], %min3A_590 {strides = array<i32>} : memref<4608x128xf32, #tpu.memory_space<vmem>>, vector<4608x128xf32>,
    %add3A_593 = vector.broadcast %convert_element_type3A_4 : f32 to vector<4608x128xf32>
    %add3A_594 = arith.addf %select_n3A_585, %add3A_593 : vector<4608x128xf32>
    %get3A_595 = arith.constant 0 : index
    %get3A_596 = arith.constant 0 : index
    %get3A_597 = vector.load %arg5[%get3A_595, %get3A_596] : memref<4608x128xf32, #tpu.memory_space<vmem>>, vector<4608x128xf32>
    %select_n3A_598 = arith.select %lt3A_589, %add3A_594, %get3A_597 : vector<4608x128xi1>, vector<4608x128xf32>
    %swap3A_599 = arith.constant 0 : index
    %swap3A_600 = arith.constant 0 : index
    %swap3A_601 = vector.load %arg5[%swap3A_599, %swap3A_600] : memref<4608x128xf32, #tpu.memory_space<vmem>>, vector<4608x128xf32>
    tpu.vector_store %arg5[%swap3A_599, %swap3A_600], %select_n3A_598 {strides = array<i32>} : memref<4608x128xf32, #tpu.memory_space<vmem>>, vector<4608x128xf32>,
    %eq3A_602 = arith.constant 1 : i32
    %eq3A_603 = arith.cmpi eq, %arg0, %eq3A_602 : i32
    %convert_element_type3A_604 = arith.extui %eq3A_603 : i1 to i32
    %cond3A_605 = arith.constant 0 : i32
    %cond3A_606 = arith.cmpi ne, %convert_element_type3A_604, %cond3A_605 : i32
    scf.if %cond3A_606 {
      %get3A_607 = arith.constant 0 : index
      %get3A_608 = arith.constant 0 : index
      %get3A_609 = vector.load %arg4[%get3A_607, %get3A_608] : memref<4608x128xf32, #tpu.memory_space<vmem>>, vector<4608x128xf32>
      %reduce_min3A = arith.constant dense<0x7F800000> : vector<4608xf32>
      %reduce_min3A_610 = vector.multi_reduction <minimumf>, %get3A_609, %reduce_min3A [1] : vector<4608x128xf32> to vector<4608xf32>
      %broadcast_in_dim3A_611 = vector.shape_cast %reduce_min3A_610 : vector<4608xf32> to vector<4608x1xf32>
      %eq3A_612 = vector.broadcast %broadcast_in_dim3A_611 : vector<4608x1xf32> to vector<4608x128xf32>
      %eq3A_613 = arith.cmpf oeq, %get3A_609, %eq3A_612 : vector<4608x128xf32>
      %get3A_614 = arith.constant 0 : index
      %get3A_615 = arith.constant 0 : index
      %get3A_616 = vector.load %arg5[%get3A_614, %get3A_615] : memref<4608x128xf32, #tpu.memory_space<vmem>>, vector<4608x128xf32>
      %jit3A = arith.constant 1.07374182E+9 : f32
      %broadcast_in_dim3A_617 = vector.broadcast %jit3A : f32 to vector<4608x128xf32>
      %select_n3A_618 = arith.select %eq3A_613, %get3A_616, %broadcast_in_dim3A_617 : vector<4608x128xi1>, vector<4608x128xf32>
      %reduce_min3A_619 = arith.constant dense<0x7F800000> : vector<4608xf32>
      %reduce_min3A_620 = vector.multi_reduction <minimumf>, %select_n3A_618, %reduce_min3A_619 [1] : vector<4608x128xf32> to vector<4608xf32>
      %broadcast_in_dim3A_621 = vector.shape_cast %reduce_min3A_620 : vector<4608xf32> to vector<4608x1xf32>
      %convert_element_type3A_622 = arith.fptosi %broadcast_in_dim3A_621 : vector<4608x1xf32> to vector<4608x1xi32>
      %swap3A_623 = arith.constant 0 : index
      %swap3A_624 = arith.constant 0 : index
      %swap3A_625 = vector.load %arg3[%swap3A_623, %swap3A_624] : memref<4608x1xi32, #tpu.memory_space<vmem>>, vector<4608x1xi32>
      tpu.vector_store %arg3[%swap3A_623, %swap3A_624], %convert_element_type3A_622 {strides = array<i32>} : memref<4608x1xi32, #tpu.memory_space<vmem>>, vector<4608x1xi32>,
    } else {
    }
    return
  }
  func.func @transform_0(%arg0: i32) -> (i32, i32) {
    %c0_i32 = arith.constant 0 : i32
    %c0_i32_0 = arith.constant 0 : i32
    %c0_i32_1 = arith.constant 0 : i32
    return %c0_i32, %c0_i32_0 : i32, i32
  }
  func.func @transform_1(%arg0: i32) -> (i32, i32) {
    %c0_i32 = arith.constant 0 : i32
    %c0_i32_0 = arith.constant 0 : i32
    return %arg0, %c0_i32 : i32, i32
  }
  func.func @transform_2(%arg0: i32) -> (i32, i32) {
    %c0_i32 = arith.constant 0 : i32
    %c0_i32_0 = arith.constant 0 : i32
    %c0_i32_1 = arith.constant 0 : i32
    return %c0_i32, %c0_i32_0 : i32, i32
  }
}

</mosaic_0001>

<sc_bundles>
// kernel: kernel.4.cloned.1.call-start
scs
__scs_entry_jumppad:
0x0: {  	(pc) =	sbr.rel $0x88, $3  }
0x1: {  	(tag) =	ssettag $0x0;
	lr =	simm.s32 $0x1  }
0x2: {  	[smem:$0x3F9F] =	sst lr;
	_ =	strace $0xD0000000  }
0x3: {  	_ = 	snop  }
0x4: {  	_ = 	snop  }
0x5: {  	_ = 	snop  }
0x6: {  	_ = 	snop  }
0x7: {  	_ = 	snop  }
__scs_overlays_trampoline_lowered:
0x8: {  	[smem:$0x3FAE] =	sst s0  }
0x9: {  	[smem:$0x3FAF] =	sst s1  }
0xa: {  	[smem:$0x3FB0] =	sst s2  }
0xb: {  	[smem:$0x3FB1] =	sst s3  }
0xc: {  	[smem:$0x3FB2] =	sst s4  }
0xd: {  	[smem:$0x3FB3] =	sst s5  }
0xe: {  	[smem:$0x3FB4] =	sst s6  }
0xf: {  	[smem:$0x3FB5] =	sst s7  }
0x10: {  	[smem:$0x3FB6] =	sst s8  }
0x11: {  	[smem:$0x3FB7] =	sst s9;
	s0 =	simm.s32 @!p0 $0x0  }
0x12: {  	s1 =	sld [smem:$0x3F9D];
	s0 =	simm.s32 @p0 $0x1  }
0x13: {  	[smem:$0x3FB8] =	sst s0;
	s0 =	simm.s32 @!p1 $0x0  }
0x14: {  	s2 =	sld [smem:$0x3F9C];
	s0 =	simm.s32 @p1 $0x1  }
0x15: {  	[smem:$0x3FB9] =	sst s0;
	s0 =	simm.s32 @!p2 $0x0  }
0x16: {  	s3 =	sld [smem:$0x3FDB];
	s0 =	simm.s32 @p2 $0x1  }
0x17: {  	s4 =	simm.s32 $0x1BF5;
	[smem:$0x3FBB] =	sst s0  }
0x18: {  	s0 =	sld [smem:$0x3F9E];
	_ =	swait.ge [sflag:s4], $0x0  }
0x19: {  	s7 =	sld [smem:$0x3F9F]  }
0x1a: {  	s8 =	sadd.s32 $0xFFFFE003, lr  }
0x1b: {  	s9 =	sadd.s32 $0xFFFFFEF7, lr;
	s5 =	simm.s32 $0xFFFFFFFF;
	p2 =	slt.u32 s8, $0xFFFFF086  }
0x1c: {  	p1 =	slt.u32 s9, $0xF7A;
	s5 =	simm.s32 @!p2 $0x0  }
0x1d: {  	s5 =	simm.s32 @p1 $0x1;
	p0 =	seq.s32 s7, s2  }
0x1e: {  	s7 =	smul.u32 @!p0 $0xF7A, s2;
	p2 =	seq.s32 @!p0 s5, $0x0  }
0x1f: {  	s9 =	smul.u32 $0xF7A, s1;
	s8 =	simm.s32 @!p0 $0x1BF5;
	p2 =	por !p2, p0  }
0x20: {  	[sflag:s8] =	ssyncset.s32 @!p0 $0xFFFFF086;
	s6 =	sadd.s32 @!p0 s3, s7;
	s7 =	simm.s32 @!p0 $0x108  }
0x21: {  	s3 =	sadd.s32 s3, s9;
	s6 =	sadd.s32 @!p0 $0x88, s6;
	s7 =	simm.s32 @p2 $0x1082  }
0x22: {  	[simem:s7], [sflag:s8] =	dma.local @!p0 [hbm:s6], $0xF7A  }
0x23: {  	s9 =	sor.u32 $0xD0000000, s2;
	s6 =	simm.s32 $0x108;
	_ =	swait.ge @!p0 [sflag:s8], $0x0  }
0x24: {  	s3 =	sadd.s32 $0x88, s3;
	s6 =	simm.s32 @!p1 $0x1082;
	[sflag:s4] =	ssyncset.s32 $0xFFFFF086  }
0x25: {  	[simem:s6], [sflag:s4] =	dma.local [hbm:s3], $0xF7A  }
0x26: {  	[smem:$0x3F9F] =	sst s1;
	(tag) =	ssettag s2;
	_ =	strace s9  }
0x27: {  	s1 =	sld [smem:$0x3FAF]  }
0x28: {  	s2 =	sld [smem:$0x3FB0]  }
0x29: {  	s4 =	sld [smem:$0x3FB2]  }
0x2a: {  	p0 =	seq.s32 s5, $0x0;
	s5 =	sld [smem:$0x3FB3]  }
0x2b: {  	s6 =	sld [smem:$0x3FB4]  }
0x2c: {  	s7 =	sld [smem:$0x3FB5]  }
0x2d: {  	s3 =	simm.s32 $0x108;
	s8 =	sld [smem:$0x3FB6]  }
0x2e: {  	s3 =	simm.s32 @!p0 $0x1082;
	s9 =	sld [smem:$0x3FB7]  }
0x2f: {  	lr =	sadd.s32 s0, s3;
	s0 =	sld [smem:$0x3FAE]  }
0x30: {  	s3 =	sld [smem:$0x3FB1]  }
0x31: {  	[smem:$0x3FBA] =	sst s10  }
0x32: {  	s10 =	sld [smem:$0x3FB8];
	_ =	sdelay $0x3  }
0x33: {  	p0 =	seq.s32 s10, $0x1;
	s10 =	sld [smem:$0x3FBA];
	_ =	sdelay $0x3  }
0x34: {  	[smem:$0x3FBA] =	sst s10  }
0x35: {  	s10 =	sld [smem:$0x3FB9];
	_ =	sdelay $0x3  }
0x36: {  	p1 =	seq.s32 s10, $0x1;
	s10 =	sld [smem:$0x3FBA];
	_ =	sdelay $0x3  }
0x37: {  	[smem:$0x3FBA] =	sst s10  }
0x38: {  	s10 =	sld [smem:$0x3FBB]  }
0x39: {  	_ = 	snop;
	(pc) =	sbr.ind lr, $3  }
0x3a: {  	_ = 	snop  }
0x3b: {  	_ = 	snop  }
0x3c: {  	p2 =	seq.s32 s10, $0x1;
	s10 =	sld [smem:$0x3FBA]  }
0x3d: {  	_ =	shalt  }
0x3e: {  	_ =	shalt  }
0x3f: {  	_ =	shalt  }
0x40: {  	_ =	shalt  }
0x41: {  	_ =	shalt  }
0x42: {  	_ =	shalt  }
0x43: {  	_ =	shalt  }
0x44: {  	_ =	shalt  }
0x45: {  	_ =	shalt  }
0x46: {  	_ =	shalt  }
0x47: {  	_ =	shalt  }
0x48: {  	_ =	shalt  }
0x49: {  	_ =	shalt  }
0x4a: {  	_ =	shalt  }
0x4b: {  	_ =	shalt  }
0x4c: {  	_ =	shalt  }
0x4d: {  	_ =	shalt  }
0x4e: {  	_ =	shalt  }
0x4f: {  	_ =	shalt  }
0x50: {  	_ =	shalt  }
0x51: {  	_ =	shalt  }
0x52: {  	_ =	shalt  }
0x53: {  	_ =	shalt  }
0x54: {  	_ =	shalt  }
0x55: {  	_ =	shalt  }
0x56: {  	_ =	shalt  }
0x57: {  	_ =	shalt  }
0x58: {  	_ =	shalt  }
0x59: {  	_ =	shalt  }
0x5a: {  	_ =	shalt  }
0x5b: {  	_ =	shalt  }
0x5c: {  	_ =	shalt  }
0x5d: {  	_ =	shalt  }
0x5e: {  	_ =	shalt  }
0x5f: {  	_ =	shalt  }
0x60: {  	_ =	shalt  }
0x61: {  	_ =	shalt  }
0x62: {  	_ =	shalt  }
0x63: {  	_ =	shalt  }
0x64: {  	_ =	shalt  }
0x65: {  	_ =	shalt  }
0x66: {  	_ =	shalt  }
0x67: {  	_ =	shalt  }
0x68: {  	_ =	shalt  }
0x69: {  	_ =	shalt  }
0x6a: {  	_ =	shalt  }
0x6b: {  	_ =	shalt  }
0x6c: {  	_ =	shalt  }
0x6d: {  	_ =	shalt  }
0x6e: {  	_ =	shalt  }
0x6f: {  	_ =	shalt  }
0x70: {  	_ =	shalt  }
0x71: {  	_ =	shalt  }
0x72: {  	_ =	shalt  }
0x73: {  	_ =	shalt  }
0x74: {  	_ =	shalt  }
0x75: {  	_ =	shalt  }
0x76: {  	_ =	shalt  }
0x77: {  	_ =	shalt  }
0x78: {  	_ =	shalt  }
0x79: {  	_ =	shalt  }
0x7a: {  	_ =	shalt  }
0x7b: {  	_ =	shalt  }
0x7c: {  	_ =	shalt  }
0x7d: {  	_ =	shalt  }
0x7e: {  	_ =	shalt  }
0x7f: {  	_ =	shalt  }
0x80: {  	_ =	shalt  }
0x81: {  	_ =	shalt  }
0x82: {  	_ =	shalt  }
0x83: {  	_ =	shalt  }
0x84: {  	_ =	shalt  }
0x85: {  	_ =	shalt  }
0x86: {  	_ =	shalt  }
0x87: {  	_ =	shalt  }
.Lfunc_end0:
.L_simem_size_0:
called_computation_lowered:
.L_overlay_start_0:
0x88: {  	s2 =	sld [smem:$0x3FD9]  }
0x89: {  	s3 =	sld [smem:$0x3FFE];
	_ =	sdelay $0x1  }
0x8a: {  	s1 =	srdreg.scid  }
0x8b: {  	s0 =	sand.u32 $0x1, s1  }
0x8c: {  	s17 =	sshll.u32 s0, $0xA;
	s2 =	sadd.s32 s3, s2  }
0x8d: {  	s2 =	sadd.s32 s2, s17  }
0x8e: {  	[smem:$0x3FC6] =	sst s2  }
0x8f: {  	_ = 	snop  }
0x90: {  	s2 =	sld [smem:$0x3FC8]  }
0x91: {  	s18 =	sld [smem:$0x3FD0];
	(tm) =	ssettm $0x1  }
0x92: {  	s4 =	sld [smem:$0x3FFB];
	_ =	sdelay $0x3  }
0x93: {  	_ =	strace s4  }
0x94: {  	s4 =	sld [smem:$0x3FFC];
	_ =	sdelay $0x3  }
0x95: {  	_ =	strace s4  }
0x96: {  	s4 =	sld [smem:$0x3FFD];
	_ =	sdelay $0x3  }
0x97: {  	_ =	strace s4  }
0x98: {  	_ =	strace $0x8FFFFFFF  }
0x99: {  	s19 =	sld [smem:$0x3FDB];
	_ =	sdelay $0x1  }
0x9a: {  	s5 =	simm.s32 $_scs_section_size  }
0x9b: {  	s6 =	simm.s32 $_size__tile_overlayer_lowered;
	s7 =	simm.s32 $_tile_overlayer_lowered  }
0x9c: {  	s22 =	simm.s32 $0x1BFF;
	s21 =	sshll.u32 s7, $0x1;
	s4 =	sadd.s32 s5, s19  }
0x9d: {  	s8 =	simm.s32 $0x0;
	s20 =	sshll.u32 s6, $0x1;
	s6 =	sadd.s32 s21, s4  }
0x9e: {  	[timem:s8], [sflag:s22] =	dma.local [hbm:s6], s20  }
0x9f: {  	_ =	swait.ge [sflag:s22], s20  }
0xa0: {  	s5 =	ssub.s32 $0x0, s20;
	[sflag:s22] =	ssyncset.done $0x0  }
0xa1: {  	[sflag:s22] =	ssyncadd.s32 s5;
	_ =	sdelay $0x1  }
0xa2: {  	s23 =	simm.s32 $0x1B8B  }
0xa3: {  	_ =	swait.ge [sflag:s23], $0x1  }
0xa4: {  	[sflag:s23] =	ssyncset.done $0x0  }
0xa5: {  	s25 =	simm.s32 $0x1B8E;
	s24 =	sld [smem:$0x3FFE];
	[sflag:s23] =	ssyncadd.s32 $0xFFFFFFFF  }
0xa6: {  	s26 =	simm.s32 $execute0_lowered;
	[smem:$0x3FD2] =	sst s25  }
0xa7: {  	s6 =	sshll.u32 s26, $0x1;
	_ =	strace $0x80000046;
	[dreg:$0x1] =	wrdreg $0xFFFFFFFF  }
0xa8: {  	s28 =	simm.s32 $_size_execute0_lowered;
	s4 =	sadd.s32 s4, s6;
	[dreg:$0x0] =	wrdreg $0x0  }
0xa9: {  	s6 =	sshll.u32 s28, $0x1;
	[dreg:$0x2] =	wrdreg s4  }
0xaa: {  	[dreg:$0x3] =	wrdreg s6  }
0xab: {  	[dreg:$0x4] =	wrdreg $0xC0  }
0xac: {  	_ =	task [dreg:s8], $0x5FFFF  }
0xad: {  	[dreg:$0x1] =	wrdreg $0xFFFFFFFF  }
0xae: {  	[dreg:$0x0] =	wrdreg $0x60  }
0xaf: {  	[dreg:$0x2] =	wrdreg s2  }
0xb0: {  	[dreg:$0x3] =	wrdreg s24  }
0xb1: {  	[dreg:$0x4] =	wrdreg s18  }
0xb2: {  	[dreg:$0x5] =	wrdreg $0x9  }
0xb3: {  	_ =	task.clear_ibuf [dreg:s8], $0x6FFFF;
	_ =	strace $0x90000046  }
0xb4: {  	s29 =	simm.s32 $0x9;
	_ =	strace $0x80000048  }
0xb5: {  	_ =	swait.ge [sflag:s29], $0x1  }
0xb6: {  	[sflag:s29] =	ssyncadd.s32 $0xFFFFFFFF  }
0xb7: {  	_ =	strace $0x90000048  }
0xb8: {  	_ =	sfence  }
0xb9: {  	s30 =	sld [smem:$0x0];
	_ =	sdelay $0x2  }
0xba: {  	s31 =	sshll.u32 s1, $0xD;
	s1 =	sshrl.u32 s1, $0x2  }
0xbb: {  	s3 =	sand.u32 $0x4000, s31;
	s1 =	sadd.s32 s1, s30  }
0xbc: {  	s0 =	sor.u32 s3, s0;
	s1 =	sshll.u32 s1, $0x11  }
0xbd: {  	s0 =	sor.u32 s1, s0  }
0xbe: {  	s0 =	sadd.s32 $0x8F2B, s0  }
0xbf: {  	[sflag:s0] =	ssyncadd.remote.s32 $0x1  }
0xc0: {  	_ =	sfence.sel $0xFFFF  }
0xc1: {  	[dreg:$0x0] =	wrdreg $0xFFFFFFFF;
	(pc) =	sbr.abs _section_cstart, $3  }
0xc2: {  	[dreg:$0x1] =	wrdreg $0xFFFFFFFF  }
0xc3: {  	_ =	task.clear_ibuf [dreg:s8], $0x2FFFF;
	_ =	strace $0x9FFFFFFF  }
0xc4: {  	(tm) =	ssettm $0x7FFFFFFF  }
0xc5: {  	_ =	shalt  }
tec
execute0_lowered:
.L_overlay_start_1:
0x0: {  	(tag) =	ssettag $0x1  }
0x1: {  	s1 =	rddreg [dreg:$0x0]  }
0x2: {  	s4 =	rddreg [dreg:$0x1]  }
0x3: {  	s2 =	srdreg.scid;
	s0 =	stileid.u32  }
0x4: {  	s5 =	rddreg [dreg:$0x2];
	s3 =	simm.s32 $0x0;
	s10 =	simm.s32 $0x900  }
0x5: {  	s11 =	simm.s32 $0x1100;
	s12 =	simm.s32 $0x1900;
	s13 =	simm.s32 $0x2100  }
0x6: {  	s14 =	simm.s32 $0x2900;
	s15 =	simm.s32 $0x3100;
	s16 =	simm.s32 $0x3900  }
0x7: {  	s17 =	simm.s32 $0x4100;
	s18 =	simm.s32 $0x4900;
	s19 =	simm.s32 $0x5100  }
0x8: {  	s20 =	simm.s32 $0x5900;
	s21 =	simm.s32 $0x6100;
	s22 =	simm.s32 $0x6900  }
0x9: {  	s23 =	simm.s32 $0x7100;
	s24 =	simm.s32 $0x7900;
	s25 =	simm.s32 $0x8100  }
0xa: {  	s26 =	simm.s32 $0x8900;
	s28 =	simm.s32 $0x1;
	s29 =	simm.s32 $0x2  }
0xb: {  	s6 =	sand.u32 $0x1, s2;
	s7 =	sshll.u32 s0, $0x1;
	[smem:$0x7FF] =	sst s3  }
0xc: {  	s2 =	rddreg [dreg:$0x3];
	s7 =	sor.u32 s6, s7;
	_ =	strace $0x80000047  }
0xd: {  	s6 =	ssub.s32 $0x2, s6;
	s8 =	sshll.u32 s7, $0x5;
	s9 =	smul.u32 $0x9000, s7  }
0xe: {  	s30 =	sshrl.u32 s6, $0x1;
	s7 =	smul.u32 $0x1200, s7;
	s4 =	sadd.s32 s8, s4  }
0xf: {  	v2 =	vlaneseq.u32;
	s8 =	ssub.s32 s6, s30;
	s9 =	sshrl.u32 s9, $0x3;
	s4 =	sadd.s32 $0x400, s4  }
0x10: {  	vm0 =	vmmov $0xffff;
	v1 =	vshrl.u32 v2, $0x3;
	s31 =	sadd.s32 s5, s9;
	s5 =	sadd.s32 s5, s7;
	s7 =	smax.u32 s8, $0x1  }
0x11: {  	v0 =	vand.u32 $0x7, v2;
	v2 =	vor.u32 $0x8, v2;
	v1 =	vmul.u32 $0x8, v1;
	s8 =	simm.s32 $0x3;
	s9 =	simm.s32 $0x100;
	s6 =	sadd.s32 $0x900, s31  }
.LBB2_1:
0x12: {  	[tilespmem:s3], [sflag:$0x3] =	stream.linear.gather [hbm4b:s4+s3], $0x100, $0x38;
	[tilespmem:$0x9100] =	vst v63  }
0x13: {  	_ =	swait.ge [sflag:s8], $0x100  }
0x14: {  	[sflag:s8] =	ssyncset.done $0x0  }
0x15: {  	[sflag:s8] =	ssyncadd.s32 $0xFFFFFF00  }
0x16: {  	v3 =	vld [tilespmem:$0x0];
	_ =	sdelay $0x4  }
0x17: {  	v4 =	vshll.u32 v3, $0x1  }
0x18: {  	v3 =	vand.u32 $0x7, v3;
	v4 =	vand.u32 $0xFFFFFFF0, v4  }
0x19: {  	v3 =	vor.u32 v3, v4  }
0x1a: {  	v4 =	vperm.xlane v3, v0;
	_ =	sdelay $0x1  }
0x1b: {  	v3 =	vperm.xlane v3, v2;
	v4 =	vadd.s32 v1, v4;
	_ =	sdelay $0x1  }
0x1c: {  	v3 =	vadd.s32 v1, v3;
	_ =	sdelay $0x2  }
0x1d: {  	[tilespmem:s9], [sflag:$0x1] =	stream.indirect_vreg.gather [hbm4b:s1+s3], $0x80, v4, vm0, $0xb8;
	[tilespmem:$0x9100] =	vst v63  }
0x1e: {  	_ = 	snop  }
0x1f: {  	[tilespmem:s10], [sflag:$0x1] =	stream.indirect_vreg.gather [hbm4b:s1+s3], $0x80, v3, vm0, $0xb8;
	[tilespmem:$0x9100] =	vst v63  }
0x20: {  	v3 =	vld [tilespmem:$0x10];
	_ =	sdelay $0x4  }
0x21: {  	v55 =	vshll.u32 v3, $0x1  }
0x22: {  	v3 =	vand.u32 $0x7, v3;
	v4 =	vand.u32 $0xFFFFFFF0, v55  }
0x23: {  	v3 =	vor.u32 v3, v4  }
0x24: {  	v4 =	vperm.xlane v3, v0;
	_ =	sdelay $0x1  }
0x25: {  	v3 =	vperm.xlane v3, v2;
	v4 =	vadd.s32 v1, v4;
	_ =	sdelay $0x1  }
0x26: {  	v3 =	vadd.s32 v1, v3;
	_ =	sdelay $0x2  }
0x27: {  	[tilespmem:s11], [sflag:$0x1] =	stream.indirect_vreg.gather [hbm4b:s1+s3], $0x80, v4, vm0, $0xb8;
	[tilespmem:$0x9100] =	vst v63  }
0x28: {  	_ = 	snop  }
0x29: {  	[tilespmem:s12], [sflag:$0x1] =	stream.indirect_vreg.gather [hbm4b:s1+s3], $0x80, v3, vm0, $0xb8;
	[tilespmem:$0x9100] =	vst v63  }
0x2a: {  	v3 =	vld [tilespmem:$0x20];
	_ =	sdelay $0x4  }
0x2b: {  	v56 =	vshll.u32 v3, $0x1  }
0x2c: {  	v3 =	vand.u32 $0x7, v3;
	v4 =	vand.u32 $0xFFFFFFF0, v56  }
0x2d: {  	v3 =	vor.u32 v3, v4  }
0x2e: {  	v4 =	vperm.xlane v3, v0;
	_ =	sdelay $0x1  }
0x2f: {  	v3 =	vperm.xlane v3, v2;
	v4 =	vadd.s32 v1, v4;
	_ =	sdelay $0x1  }
0x30: {  	v3 =	vadd.s32 v1, v3;
	_ =	sdelay $0x2  }
0x31: {  	[tilespmem:s13], [sflag:$0x1] =	stream.indirect_vreg.gather [hbm4b:s1+s3], $0x80, v4, vm0, $0xb8;
	[tilespmem:$0x9100] =	vst v63  }
0x32: {  	_ = 	snop  }
0x33: {  	[tilespmem:s14], [sflag:$0x1] =	stream.indirect_vreg.gather [hbm4b:s1+s3], $0x80, v3, vm0, $0xb8;
	[tilespmem:$0x9100] =	vst v63  }
0x34: {  	v3 =	vld [tilespmem:$0x30];
	_ =	sdelay $0x4  }
0x35: {  	v57 =	vshll.u32 v3, $0x1  }
0x36: {  	v3 =	vand.u32 $0x7, v3;
	v4 =	vand.u32 $0xFFFFFFF0, v57  }
0x37: {  	v3 =	vor.u32 v3, v4  }
0x38: {  	v4 =	vperm.xlane v3, v0;
	_ =	sdelay $0x1  }
0x39: {  	v3 =	vperm.xlane v3, v2;
	v4 =	vadd.s32 v1, v4;
	_ =	sdelay $0x1  }
0x3a: {  	v3 =	vadd.s32 v1, v3;
	_ =	sdelay $0x2  }
0x3b: {  	[tilespmem:s15], [sflag:$0x1] =	stream.indirect_vreg.gather [hbm4b:s1+s3], $0x80, v4, vm0, $0xb8;
	[tilespmem:$0x9100] =	vst v63  }
0x3c: {  	_ = 	snop  }
0x3d: {  	[tilespmem:s16], [sflag:$0x1] =	stream.indirect_vreg.gather [hbm4b:s1+s3], $0x80, v3, vm0, $0xb8;
	[tilespmem:$0x9100] =	vst v63  }
0x3e: {  	v3 =	vld.msk [tilespmem:$0x40], $0xff;
	_ =	sdelay $0x4  }
0x3f: {  	v58 =	vshll.u32 v3, $0x1  }
0x40: {  	v3 =	vand.u32 $0x7, v3;
	v4 =	vand.u32 $0xFFFFFFF0, v58  }
0x41: {  	v3 =	vor.u32 v3, v4  }
0x42: {  	v3 =	vperm.xlane v3, v0;
	_ =	sdelay $0x1  }
0x43: {  	v3 =	vadd.s32 v1, v3;
	_ =	sdelay $0x4  }
0x44: {  	[tilespmem:s17], [sflag:$0x1] =	stream.indirect_vreg.gather [hbm4b:s1+s3], $0x80, v3, vm0, $0xb8;
	[tilespmem:$0x9100] =	vst v63  }
0x45: {  	v3 =	vld [tilespmem:$0x80];
	_ =	sdelay $0x4  }
0x46: {  	v59 =	vshll.u32 v3, $0x1  }
0x47: {  	v3 =	vand.u32 $0x7, v3;
	v4 =	vand.u32 $0xFFFFFFF0, v59  }
0x48: {  	v3 =	vor.u32 v3, v4  }
0x49: {  	v4 =	vperm.xlane v3, v0;
	_ =	sdelay $0x1  }
0x4a: {  	v3 =	vperm.xlane v3, v2;
	v4 =	vadd.s32 v1, v4;
	_ =	sdelay $0x1  }
0x4b: {  	v3 =	vadd.s32 v1, v3;
	_ =	sdelay $0x2  }
0x4c: {  	[tilespmem:s18], [sflag:$0x1] =	stream.indirect_vreg.gather [hbm4b:s1+s3], $0x80, v4, vm0, $0xb8;
	[tilespmem:$0x9100] =	vst v63  }
0x4d: {  	_ = 	snop  }
0x4e: {  	[tilespmem:s19], [sflag:$0x1] =	stream.indirect_vreg.gather [hbm4b:s1+s3], $0x80, v3, vm0, $0xb8;
	[tilespmem:$0x9100] =	vst v63  }
0x4f: {  	v3 =	vld [tilespmem:$0x90];
	_ =	sdelay $0x4  }
0x50: {  	v60 =	vshll.u32 v3, $0x1  }
0x51: {  	v3 =	vand.u32 $0x7, v3;
	v4 =	vand.u32 $0xFFFFFFF0, v60  }
0x52: {  	v3 =	vor.u32 v3, v4  }
0x53: {  	v4 =	vperm.xlane v3, v0;
	_ =	sdelay $0x1  }
0x54: {  	v3 =	vperm.xlane v3, v2;
	v4 =	vadd.s32 v1, v4;
	_ =	sdelay $0x1  }
0x55: {  	v3 =	vadd.s32 v1, v3;
	_ =	sdelay $0x2  }
0x56: {  	[tilespmem:s20], [sflag:$0x1] =	stream.indirect_vreg.gather [hbm4b:s1+s3], $0x80, v4, vm0, $0xb8;
	[tilespmem:$0x9100] =	vst v63  }
0x57: {  	_ = 	snop  }
0x58: {  	[tilespmem:s21], [sflag:$0x1] =	stream.indirect_vreg.gather [hbm4b:s1+s3], $0x80, v3, vm0, $0xb8;
	[tilespmem:$0x9100] =	vst v63  }
0x59: {  	v3 =	vld [tilespmem:$0xA0];
	_ =	sdelay $0x4  }
0x5a: {  	v61 =	vshll.u32 v3, $0x1  }
0x5b: {  	v3 =	vand.u32 $0x7, v3;
	v4 =	vand.u32 $0xFFFFFFF0, v61  }
0x5c: {  	v3 =	vor.u32 v3, v4  }
0x5d: {  	v4 =	vperm.xlane v3, v0;
	_ =	sdelay $0x1  }
0x5e: {  	v3 =	vperm.xlane v3, v2;
	v4 =	vadd.s32 v1, v4;
	_ =	sdelay $0x1  }
0x5f: {  	v3 =	vadd.s32 v1, v3;
	_ =	sdelay $0x2  }
0x60: {  	[tilespmem:s22], [sflag:$0x1] =	stream.indirect_vreg.gather [hbm4b:s1+s3], $0x80, v4, vm0, $0xb8;
	[tilespmem:$0x9100] =	vst v63  }
0x61: {  	_ = 	snop  }
0x62: {  	[tilespmem:s23], [sflag:$0x1] =	stream.indirect_vreg.gather [hbm4b:s1+s3], $0x80, v3, vm0, $0xb8;
	[tilespmem:$0x9100] =	vst v63  }
0x63: {  	v3 =	vld [tilespmem:$0xB0];
	_ =	sdelay $0x4  }
0x64: {  	v62 =	vshll.u32 v3, $0x1  }
0x65: {  	v3 =	vand.u32 $0x7, v3;
	v4 =	vand.u32 $0xFFFFFFF0, v62  }
0x66: {  	v3 =	vor.u32 v3, v4  }
0x67: {  	v4 =	vperm.xlane v3, v0;
	_ =	sdelay $0x1  }
0x68: {  	v3 =	vperm.xlane v3, v2;
	v4 =	vadd.s32 v1, v4;
	_ =	sdelay $0x1  }
0x69: {  	v3 =	vadd.s32 v1, v3;
	_ =	sdelay $0x2  }
0x6a: {  	[tilespmem:s24], [sflag:$0x1] =	stream.indirect_vreg.gather [hbm4b:s1+s3], $0x80, v4, vm0, $0xb8;
	[tilespmem:$0x9100] =	vst v63  }
0x6b: {  	_ = 	snop  }
0x6c: {  	[tilespmem:s25], [sflag:$0x1] =	stream.indirect_vreg.gather [hbm4b:s1+s3], $0x80, v3, vm0, $0xb8;
	[tilespmem:$0x9100] =	vst v63  }
0x6d: {  	v3 =	vld.msk [tilespmem:$0xC0], $0xff;
	_ =	sdelay $0x4  }
0x6e: {  	v63 =	vshll.u32 v3, $0x1  }
0x6f: {  	v3 =	vand.u32 $0x7, v3;
	v4 =	vand.u32 $0xFFFFFFF0, v63  }
0x70: {  	v3 =	vor.u32 v3, v4  }
0x71: {  	v3 =	vperm.xlane v3, v0;
	_ =	sdelay $0x1  }
0x72: {  	v3 =	vadd.s32 v1, v3;
	_ =	sdelay $0x4  }
0x73: {  	[tilespmem:s26], [sflag:$0x1] =	stream.indirect_vreg.gather [hbm4b:s1+s3], $0x80, v3, vm0, $0xb8;
	[tilespmem:$0x9100] =	vst v63  }
0x74: {  	_ =	swait.ge [sflag:s28], $0x4800  }
0x75: {  	[sflag:s28] =	ssyncset.done $0x0  }
0x76: {  	[sflag:s28] =	ssyncadd.s32 $0xFFFFB800  }
0x77: {  	[hbm4b:s5+s3] =	stream.linear.scatter [tilespmem:s9], [sflag:$0x2], $0x4800, $0x38;
	[tilespmem:$0x9100] =	vst v63  }
0x78: {  	_ =	swait.ge [sflag:s28], $0x4800  }
0x79: {  	[sflag:s28] =	ssyncset.done $0x0  }
0x7a: {  	[sflag:s28] =	ssyncadd.s32 $0xFFFFB800  }
0x7b: {  	[hbm4b:s6+s3] =	stream.linear.scatter [tilespmem:s18], [sflag:$0x2], $0x4800, $0x38;
	[tilespmem:$0x9100] =	vst v63  }
0x7c: {  	p0 =	sne.s32 s7, $0x1;
	_ =	swait.ge [sflag:s29], $0x4800  }
.Ltmp0:
0x7d: {  	[sflag:s29] =	ssyncset.done $0x0;
	(pc) =	sbr.rel @p0 .LBB2_1-.Ltmp0, $4  }
0x7e: {  	[sflag:s29] =	ssyncadd.s32 $0xFFFFB800  }
0x7f: {  	_ =	swait.ge [sflag:s29], $0x4800  }
0x80: {  	[sflag:s29] =	ssyncset.done $0x0  }
0x81: {  	s7 =	sadd.s32 $0xFFFFFFFF, s7;
	[sflag:s29] =	ssyncadd.s32 $0xFFFFB800  }
0x82: {  	_ =	sfence.sel $0x180000  }
0x83: {  	[bflag:$0x0] =	sbarrier.arrive $0xFFFF  }
0x84: {  	p0 =	sne.s32 s0, $0x0;
	_ =	strace $0x90000047  }
0x85: {  	s0 =	sadd.s32 @!p0 $0x100000, s2;
	[bflag:$0x2] =	sbarrier.arrive $0xFFFF  }
0x86: {  	[sflag:s0] =	ssyncadd.tile.s32 @!p0 $0x1;
	_ =	shalt  }
.Lfunc_end2:
_tile_overlayer_lowered:
.L_overlay_start_2:
0x87: {  	(tag) =	ssettag $0x2  }
0x88: {  	s0 =	rddreg [dreg:$0x0];
	s2 =	stileid.u32  }
0x89: {  	s1 =	rddreg [dreg:$0x1];
	p0 =	sne.s32 s2, $0x0  }
0x8a: {  	s3 =	rddreg [dreg:$0x2];
	[bflag:$0x3] =	sbarrier.arrive $0xFFFF;
	s2 =	simm.s32 @!p0 $0x1C03  }
0x8b: {  	[timem:s3], [sflag:s2] =	dma.local @!p0 [hbm:s0], s1  }
0x8c: {  	s0 =	simm.s32 @!p0 $0x3  }
0x8d: {  	_ =	swait.ge @!p0 [sflag:s0], s1  }
0x8e: {  	s1 =	ssub.s32 @!p0 $0x0, s1;
	[sflag:s0] =	ssyncset.done @!p0 $0x0  }
0x8f: {  	[sflag:s0] =	ssyncadd.s32 @!p0 s1  }
0x90: {  	[bflag:$0x3] =	sbarrier.arrive $0xFFFF  }
0x91: {  	_ =	shalt  }

</sc_bundles>
